<compile_context>
chip_gen: v7x
topology: tpu7x:2x2x1
jax: 0.10.2.dev20260603
libtpu: 0.0.44.dev20260713+nightly
codegen_flags: <defaults>
</compile_context>

<pallas_src>
import functools

import jax
import jax.numpy as jnp
from jax import lax
from jax.experimental import pallas as pl
from jax.experimental.pallas import tpu as pltpu
from jax.experimental.pallas import tpu_sc as plsc

B, T, D = 8, 2048, 1024
HID = 512
C = 256
K = max(1, min(T, int(round(T * 0.1))))
CW = float(1.0 / K) / (1.0 + 1e-8)

NGRP = T // 16
TQ = T // 4

ROWS_TC = 512


def _tc_body(x_ref, wc_ref, bc_ref, w2t_ref, b2_ref, wa2_ref, ba2_ref,
             seg_ref, sc_ref):
    hc = jnp.dot(x_ref[...], wc_ref[...],
                 preferred_element_type=jnp.float32) + bc_ref[...]
    h = jnp.maximum(hc[:, :HID], 0.0)
    ha = jnp.tanh(hc[:, HID:])
    seg_ref[...] = jnp.dot(h, w2t_ref[...],
                           preferred_element_type=jnp.float32) + b2_ref[...]
    sc_ref[...] = jnp.dot(ha, wa2_ref[...],
                          preferred_element_type=jnp.float32) + ba2_ref[0, 0]


def _tc_forward(x2, Wc, bc, W2t, b2r, wa2r, ba2r):
    grid = (x2.shape[0] // ROWS_TC,)
    return pl.pallas_call(
        _tc_body,
        grid=grid,
        in_specs=[
            pl.BlockSpec((ROWS_TC, D), lambda i: (i, 0)),
            pl.BlockSpec((D, 2 * HID), lambda i: (0, 0)),
            pl.BlockSpec((1, 2 * HID), lambda i: (0, 0)),
            pl.BlockSpec((HID, C), lambda i: (0, 0)),
            pl.BlockSpec((1, C), lambda i: (0, 0)),
            pl.BlockSpec((HID, 1), lambda i: (0, 0)),
            pl.BlockSpec((1, 1), lambda i: (0, 0)),
        ],
        out_specs=[
            pl.BlockSpec((ROWS_TC, C), lambda i: (i, 0)),
            pl.BlockSpec((ROWS_TC, 1), lambda i: (i, 0)),
        ],
        out_shape=[
            jax.ShapeDtypeStruct((x2.shape[0], C), jnp.float32),
            jax.ShapeDtypeStruct((x2.shape[0], 1), jnp.float32),
        ],
        compiler_params=pltpu.CompilerParams(
            dimension_semantics=("arbitrary",)),
    )(x2, Wc, bc, W2t, b2r, wa2r, ba2r)


def _clip_body(w_ref, seg_ref, out_ref):
    res = jnp.dot(w_ref[0], seg_ref[...],
                  preferred_element_type=jnp.float32)
    out_ref[...] = res.reshape(1, 1, C)


def _tc_clip(weights, seg2):
    out = pl.pallas_call(
        _clip_body,
        grid=(B,),
        in_specs=[
            pl.BlockSpec((1, 1, T), lambda i: (i, 0, 0)),
            pl.BlockSpec((T, C), lambda i: (i, 0)),
        ],
        out_specs=pl.BlockSpec((1, 1, C), lambda i: (i, 0, 0)),
        out_shape=jax.ShapeDtypeStruct((B, 1, C), jnp.float32),
        compiler_params=pltpu.CompilerParams(
            dimension_semantics=("arbitrary",)),
    )(weights.reshape(B, 1, T), seg2)
    return out.reshape(B, C)


def _lane_total(v):
    tot = jnp.int32(0)
    for i in range(16):
        tot = tot + lax.squeeze(lax.slice(v, (i,), (i + 1,)), (0,))
    return tot


def _sc_body(scores_hbm, w_hbm, sc_v, key_v, wrow_v):
    cid = lax.axis_index("c")
    sid = lax.axis_index("s")
    b = cid * 4 + sid // 4
    j = sid % 4

    pltpu.sync_copy(scores_hbm.at[b], sc_v)

    signbit = jnp.full((16,), 0x80000000, jnp.uint32)
    zero_u = jnp.full((16,), 0, jnp.uint32)
    one_i = jnp.full((16,), 1, jnp.int32)
    zero_i = jnp.zeros((16,), jnp.int32)
    cw_vec = jnp.full((16,), CW, jnp.float32)
    zero_f = jnp.zeros((16,), jnp.float32)

    def mk_key(g, carry):
        v = sc_v[pl.ds(g * 16, 16)]
        u = lax.bitcast_convert_type(v, jnp.uint32)
        neg = (u & signbit) != zero_u
        key_v[pl.ds(g * 16, 16)] = jnp.where(neg, ~u, u | signbit)
        return carry
    lax.fori_loop(0, NGRP, mk_key, 0)

    def count_ge(cand):
        cand_vec = jnp.full((16,), cand, dtype=jnp.uint32)
        def cbody(g, cnt):
            chunk = key_v[pl.ds(g * 16, 16)]
            return cnt + jnp.where(chunk >= cand_vec, one_i, zero_i)
        return _lane_total(lax.fori_loop(0, NGRP, cbody, zero_i, unroll=4))

    def sbody(i, carry):
        def refine(c):
            tau, cnt = c
            bit = jnp.uint32(31) - i.astype(jnp.uint32)
            cand = tau | (jnp.uint32(1) << bit)
            c2 = count_ge(cand)
            take = c2 >= K
            return (jnp.where(take, cand, tau), jnp.where(take, c2, cnt))
        return lax.cond(carry[1] != K, refine, lambda c: c, carry)

    tau, count_ge_tot = lax.fori_loop(
        0, 32, sbody, (jnp.uint32(0), jnp.int32(T)))

    tau_vec = jnp.full((16,), tau, dtype=jnp.uint32)

    @pl.when(count_ge_tot == K)
    def _():
        def wbody(g, carry):
            chunk = key_v[pl.ds(g * 16, 16)]
            sel = chunk >= tau_vec
            wrow_v[pl.ds(g * 16, 16)] = jnp.where(sel, cw_vec, zero_f)
            return carry
        lax.fori_loop(j * (NGRP // 4), (j + 1) * (NGRP // 4), wbody, 0)

    @pl.when(count_ge_tot != K)
    def _():
        def cgtbody(g, cnt):
            chunk = key_v[pl.ds(g * 16, 16)]
            return cnt + jnp.where(chunk > tau_vec, one_i, zero_i)
        count_gt = _lane_total(
            lax.fori_loop(0, NGRP, cgtbody, zero_i, unroll=4))

        lane = lax.iota(jnp.int32, 16)
        onehots = [
            jnp.where(lane == jnp.full((16,), i, jnp.int32), one_i, zero_i)
            for i in range(16)
        ]

        def wbody(g, need_rem):
            chunk = key_v[pl.ds(g * 16, 16)]
            gt = chunk > tau_vec
            eq = chunk == tau_vec
            eqc = jnp.where(eq, one_i, zero_i)
            msk = zero_i
            for i in range(16):
                e_i = lax.squeeze(lax.slice(eqc, (i,), (i + 1,)), (0,))
                t_i = jnp.where(
                    jnp.logical_and(e_i > 0, need_rem > 0),
                    jnp.int32(1), jnp.int32(0))
                need_rem = need_rem - t_i
                msk = msk + onehots[i] * jnp.full((16,), t_i, jnp.int32)
            sel = jnp.logical_or(gt, msk > zero_i)
            in_quarter = jnp.logical_and(g >= j * (NGRP // 4),
                                         g < (j + 1) * (NGRP // 4))
            @pl.when(in_quarter)
            def _():
                wrow_v[pl.ds(g * 16, 16)] = jnp.where(sel, cw_vec, zero_f)
            return need_rem

        lax.fori_loop(0, NGRP, wbody, K - count_gt)

    pltpu.sync_copy(wrow_v.at[pl.ds(j * TQ, TQ)],
                    w_hbm.at[b, pl.ds(j * TQ, TQ)])


@functools.cache
def _sc_topk():
    return pl.kernel(
        _sc_body,
        out_type=jax.ShapeDtypeStruct((B, T), jnp.float32),
        mesh=plsc.VectorSubcoreMesh(core_axis_name="c",
                                    subcore_axis_name="s"),
        scratch_types=[
            pltpu.VMEM((T,), jnp.float32),
            pltpu.VMEM((T,), jnp.uint32),
            pltpu.VMEM((T,), jnp.float32),
        ],
    )


def kernel(x, W1, b1, W2, b2, Wa1, ba1, Wa2, ba2):
    x2 = x.reshape(B * T, D)
    Wc = jnp.concatenate([W1.T, Wa1.T], axis=1)
    bc = jnp.concatenate([b1, ba1]).reshape(1, 2 * HID)
    W2t = W2.T
    b2r = b2.reshape(1, C)
    wa2r = Wa2.reshape(HID, 1)
    ba2r = ba2.reshape(1, 1)

    seg2, sc2 = _tc_forward(x2, Wc, bc, W2t, b2r, wa2r, ba2r)
    seg_logits = seg2.reshape(B, T, C)
    scores = sc2.reshape(B, T)

    weights = _sc_topk()(scores)
    clip_logits = _tc_clip(weights, seg2)
    return clip_logits, seg_logits, weights

# --- scband reference (transcript-rebuilt; emitter-appended) ---
"""Pipeline reference for scband-enhanced-avtop-detector-9792525434992 (READ-ONLY COPY).

The authoritative reference and input builder live on the scoring server;
editing this copy changes nothing except your own understanding.
"""

import jax, jax.numpy as jnp
import numpy as np

B, T, D = 8, 2048, 1024
HID = 512
C = 256
TOPK_RATIO = 0.1


def setup_inputs(seed: int = 0) -> dict:
    key = jax.random.key(seed)
    ks = jax.random.split(key, 9)
    x = jax.random.normal(ks[0], (B, T, D), dtype=jnp.float32)
    s1 = 1.0 / np.sqrt(D)
    s2 = 1.0 / np.sqrt(HID)
    W1 = jax.random.uniform(ks[1], (HID, D), minval=-s1, maxval=s1, dtype=jnp.float32)
    b1 = jax.random.uniform(ks[2], (HID,), minval=-s1, maxval=s1, dtype=jnp.float32)
    W2 = jax.random.uniform(ks[3], (C, HID), minval=-s2, maxval=s2, dtype=jnp.float32)
    b2 = jax.random.uniform(ks[4], (C,), minval=-s2, maxval=s2, dtype=jnp.float32)
    Wa1 = jax.random.uniform(ks[5], (HID, D), minval=-s1, maxval=s1, dtype=jnp.float32)
    ba1 = jax.random.uniform(ks[6], (HID,), minval=-s1, maxval=s1, dtype=jnp.float32)
    Wa2 = jax.random.uniform(ks[7], (1, HID), minval=-s2, maxval=s2, dtype=jnp.float32)
    ba2 = jax.random.uniform(ks[8], (1,), minval=-s2, maxval=s2, dtype=jnp.float32)
    return {"x": x, "W1": W1, "b1": b1, "W2": W2, "b2": b2,
            "Wa1": Wa1, "ba1": ba1, "Wa2": Wa2, "ba2": ba2}


def reference(x, W1, b1, W2, b2, Wa1, ba1, Wa2, ba2):
    # frame_classifier: Linear -> ReLU -> Dropout(p=0, identity) -> Linear
    h = jax.nn.relu(jnp.einsum('btd,hd->bth', x, W1) + b1)
    seg_logits = jnp.einsum('bth,ch->btc', h, W2) + b2  # [B, T, C]
    # attention: Linear -> Tanh -> Linear(->1), squeeze
    ha = jnp.tanh(jnp.einsum('btd,hd->bth', x, Wa1) + ba1)
    attn_scores = (jnp.einsum('bth,oh->bto', ha, Wa2) + ba2)[..., 0]  # [B, T]
    # Top-K sparse mask (training branch, topk_ratio > 0)
    Tn = attn_scores.shape[1]
    k = max(1, min(Tn, int(round(Tn * TOPK_RATIO))))
    _, idx = jax.lax.top_k(attn_scores, k)  # [B, k]
    rows = jnp.arange(attn_scores.shape[0])[:, None]
    mask = jnp.zeros_like(attn_scores).at[rows, idx].set(1.0 / float(k))
    weights = jnp.clip(mask, 0.0, None)
    weights = weights / (jnp.sum(weights, axis=1, keepdims=True) + 1e-08)
    clip_logits = jnp.einsum('btc,bt->bc', seg_logits, weights)
    return clip_logits, seg_logits, weights

if __name__ == "__main__":
    import jax
    _d = setup_inputs()
    print(jax.jit(kernel)(*tuple(_d.values())))

</pallas_src>

<mosaic_0001>
#map = affine_map<(d0, d1) -> (0, 0)>
module attributes {stable_mosaic.version = 14 : i64} {
  func.func @_sc_body(%arg0: i32, %arg1: i32, %arg2: memref<8x2048xf32, #tpu.memory_space<hbm>>, %arg3: memref<8x2048xf32, #tpu.memory_space<hbm>>, %arg4: memref<2048xf32, #tpu.memory_space<vmem>>, %arg5: memref<2048xi32, #tpu.memory_space<vmem>>, %arg6: memref<2048xf32, #tpu.memory_space<vmem>>) attributes {dimension_semantics = [#tpu.dimension_semantics<core_parallel>, #tpu.dimension_semantics<subcore_parallel>], iteration_bounds = array<i64: 2, 16>, scalar_prefetch = 0 : i64, scratch_operands = 3 : i64, tpu.core_type = #tpu.core_type<sc_vector_subcore>, window_params = [{transform_indices = #map}, {transform_indices = #map}]} {
    %mul3A = arith.constant 4 : i32
    %mul3A_0 = arith.muli %arg0, %mul3A : i32
    %jit3A = arith.constant 4 : i32
    %div3A = arith.divsi %arg1, %jit3A : i32
    %sign3A = arith.constant 0 : i32
    %sign3A_1 = arith.cmpi sgt, %arg1, %sign3A : i32
    %sign3A_2 = arith.extui %sign3A_1 : i1 to i32
    %sign3A_3 = arith.constant 0 : i32
    %sign3A_4 = arith.cmpi slt, %arg1, %sign3A_3 : i32
    %sign3A_5 = arith.extui %sign3A_4 : i1 to i32
    %sign3A_6 = arith.subi %sign3A_2, %sign3A_5 : i32
    %sign3A_7 = arith.constant 0 : i32
    %sign3A_8 = arith.cmpi sgt, %jit3A, %sign3A_7 : i32
    %sign3A_9 = arith.extui %sign3A_8 : i1 to i32
    %sign3A_10 = arith.constant 0 : i32
    %sign3A_11 = arith.cmpi slt, %jit3A, %sign3A_10 : i32
    %sign3A_12 = arith.extui %sign3A_11 : i1 to i32
    %sign3A_13 = arith.subi %sign3A_9, %sign3A_12 : i32
    %ne3A = arith.cmpi ne, %sign3A_6, %sign3A_13 : i32
    %rem3A = arith.remsi %arg1, %jit3A : i32
    %ne3A_14 = arith.constant 0 : i32
    %ne3A_15 = arith.cmpi ne, %rem3A, %ne3A_14 : i32
    %and3A = arith.andi %ne3A, %ne3A_15 : i1
    %sub3A = arith.constant 1 : i32
    %sub3A_16 = arith.subi %div3A, %sub3A : i32
    %select_n3A = arith.select %and3A, %sub3A_16, %div3A : i32
    %add3A = arith.addi %mul3A_0, %select_n3A : i32
    %jit3A_17 = arith.constant 4 : i32
    %eq3A = arith.constant 0 : i32
    %eq3A_18 = arith.cmpi eq, %jit3A_17, %eq3A : i32
    %jit3A_19 = arith.constant 1 : i32
    %select_n3A_20 = arith.select %eq3A_18, %jit3A_19, %jit3A_17 : i32
    %rem3A_21 = arith.remsi %arg1, %select_n3A_20 : i32
    %ne3A_22 = arith.constant 0 : i32
    %ne3A_23 = arith.cmpi ne, %rem3A_21, %ne3A_22 : i32
    %lt3A = arith.constant 0 : i32
    %lt3A_24 = arith.cmpi slt, %rem3A_21, %lt3A : i32
    %lt3A_25 = arith.constant 0 : i32
    %lt3A_26 = arith.cmpi slt, %select_n3A_20, %lt3A_25 : i32
    %ne3A_27 = arith.xori %lt3A_24, %lt3A_26 : i1
    %and3A_28 = arith.andi %ne3A_27, %ne3A_23 : i1
    %add3A_29 = arith.addi %rem3A_21, %select_n3A_20 : i32
    %select_n3A_30 = arith.select %and3A_28, %add3A_29, %rem3A_21 : i32
    "tpu.region"() ({
      %run_scoped3A = tpu.sem_alloc : memref<!tpu.dma_semaphore, #tpu.memory_space<semaphore_mem>>
      %dma_start3A = arith.constant 0 : i32
      %dma_start3A_68 = tpu.memref_slice %arg2[%add3A, %dma_start3A] : memref<8x2048xf32, #tpu.memory_space<hbm>> -> memref<1x2048xf32, #tpu.memory_space<hbm>>
      %dma_start3A_69 = tpu.memref_squeeze %dma_start3A_68 : memref<1x2048xf32, #tpu.memory_space<hbm>> -> memref<2048xf32, #tpu.memory_space<hbm>>
      %dma_start3A_70 = arith.constant 0 : i32
      %dma_start3A_71 = tpu.memref_slice %arg2[%add3A, %dma_start3A_70] : memref<8x2048xf32, #tpu.memory_space<hbm>> -> memref<1x2048xf32, #tpu.memory_space<hbm>>
      %dma_start3A_72 = tpu.memref_squeeze %dma_start3A_71 : memref<1x2048xf32, #tpu.memory_space<hbm>> -> memref<2048xf32, #tpu.memory_space<hbm>>
      tpu.enqueue_dma source(%dma_start3A_72 : memref<2048xf32, #tpu.memory_space<hbm>>) target(%arg4 : memref<2048xf32, #tpu.memory_space<vmem>>) target_semaphore(%run_scoped3A : memref<!tpu.dma_semaphore, #tpu.memory_space<semaphore_mem>>)
      %dma_wait3A = arith.constant 0 : i32
      %dma_wait3A_73 = tpu.memref_slice %arg2[%add3A, %dma_wait3A] : memref<8x2048xf32, #tpu.memory_space<hbm>> -> memref<1x2048xf32, #tpu.memory_space<hbm>>
      %dma_wait3A_74 = tpu.memref_squeeze %dma_wait3A_73 : memref<1x2048xf32, #tpu.memory_space<hbm>> -> memref<2048xf32, #tpu.memory_space<hbm>>
      %dma_wait3A_75 = arith.constant 0 : i32
      %dma_wait3A_76 = tpu.memref_slice %arg2[%add3A, %dma_wait3A_75] : memref<8x2048xf32, #tpu.memory_space<hbm>> -> memref<1x2048xf32, #tpu.memory_space<hbm>>
      %dma_wait3A_77 = tpu.memref_squeeze %dma_wait3A_76 : memref<1x2048xf32, #tpu.memory_space<hbm>> -> memref<2048xf32, #tpu.memory_space<hbm>>
      tpu.wait_dma2 semaphore(%run_scoped3A : memref<!tpu.dma_semaphore, #tpu.memory_space<semaphore_mem>>) src(%dma_wait3A_77 : memref<2048xf32, #tpu.memory_space<hbm>>) dst(%arg4 : memref<2048xf32, #tpu.memory_space<vmem>>)
      tpu.yield
    }) : () -> ()
    %broadcast_in_dim3A = arith.constant -2147483648 : i32
    %broadcast_in_dim3A_31 = vector.broadcast %broadcast_in_dim3A : i32 to vector<16xi32>
    %broadcast_in_dim3A_32 = arith.constant 0 : i32
    %broadcast_in_dim3A_33 = vector.broadcast %broadcast_in_dim3A_32 : i32 to vector<16xi32>
    %broadcast_in_dim3A_34 = arith.constant 1 : i32
    %broadcast_in_dim3A_35 = vector.broadcast %broadcast_in_dim3A_34 : i32 to vector<16xi32>
    %broadcast_in_dim3A_36 = arith.constant 0 : i32
    %broadcast_in_dim3A_37 = vector.broadcast %broadcast_in_dim3A_36 : i32 to vector<16xi32>
    %broadcast_in_dim3A_38 = arith.constant 0.00487804879 : f32
    %broadcast_in_dim3A_39 = vector.broadcast %broadcast_in_dim3A_38 : f32 to vector<16xf32>
    %broadcast_in_dim3A_40 = arith.constant 0.000000e+00 : f32
    %broadcast_in_dim3A_41 = vector.broadcast %broadcast_in_dim3A_40 : f32 to vector<16xf32>
    %scan3A = arith.constant 0 : i32
    %scan3A_42 = arith.constant 0 : i32
    %scan3A_43 = arith.constant 128 : i32
    %scan3A_44 = arith.addi %scan3A_42, %scan3A_43 : i32
    %scan3A_45 = arith.constant 1 : i32
    scf.for %scan3A_68 = %scan3A_42 to %scan3A_44 step %scan3A_45  : i32 {
      %mul3A_69 = arith.constant 16 : i32
      %mul3A_70 = arith.muli %scan3A_68, %mul3A_69 : i32
      %get3A = arith.index_cast %mul3A_70 : i32 to index
      %get3A_71 = tpu.vector_load %arg4[%get3A] {strides = array<i32>} : memref<2048xf32, #tpu.memory_space<vmem>>, vector<16xf32>,
      %get3A_72 = vector.shape_cast %get3A_71 : vector<16xf32> to vector<16xf32>
      %bitcast_convert_type3A = tpu.bitcast %get3A_72 : vector<16xf32> -> vector<16xi32>
      %and3A_73 = arith.andi %bitcast_convert_type3A, %broadcast_in_dim3A_31 : vector<16xi32>
      %ne3A_74 = arith.cmpi ne, %and3A_73, %broadcast_in_dim3A_33 : vector<16xi32>
      %not3A = arith.constant dense<-1> : vector<16xi32>
      %not3A_75 = arith.xori %bitcast_convert_type3A, %not3A : vector<16xi32>
      %or3A = arith.ori %bitcast_convert_type3A, %broadcast_in_dim3A_31 : vector<16xi32>
      %select_n3A_76 = arith.select %ne3A_74, %not3A_75, %or3A : vector<16xi1>, vector<16xi32>
      %mul3A_77 = arith.constant 16 : i32
      %mul3A_78 = arith.muli %scan3A_68, %mul3A_77 : i32
      %swap3A = arith.index_cast %mul3A_78 : i32 to index
      %swap3A_79 = tpu.vector_load %arg5[%swap3A] {strides = array<i32>} : memref<2048xi32, #tpu.memory_space<vmem>>, vector<16xi32>,
      %swap3A_80 = vector.shape_cast %swap3A_79 : vector<16xi32> to vector<16xi32>
      %swap3A_81 = vector.shape_cast %select_n3A_76 : vector<16xi32> to vector<16xi32>
      tpu.vector_store %arg5[%swap3A], %swap3A_81 {strides = array<i32>} : memref<2048xi32, #tpu.memory_space<vmem>>, vector<16xi32>,
    }
    %scan3A_46 = arith.constant 128 : i32
    %scan3A_47 = arith.constant 0 : i32
    %scan3A_48 = arith.constant 2048 : i32
    %scan3A_49 = arith.constant 0 : i32
    %scan3A_50 = arith.constant 32 : i32
    %scan3A_51 = arith.addi %scan3A_49, %scan3A_50 : i32
    %scan3A_52 = arith.constant 1 : i32
    %scan3A_53:2 = scf.for %scan3A_68 = %scan3A_49 to %scan3A_51 step %scan3A_52 iter_args(%scan3A_69 = %scan3A_47, %scan3A_70 = %scan3A_48) -> (i32, i32)  : i32 {
      %ne3A_71 = arith.constant 205 : i32
      %ne3A_72 = arith.cmpi ne, %scan3A_70, %ne3A_71 : i32
      %convert_element_type3A_73 = arith.extui %ne3A_72 : i1 to i32
      %cond3A_74 = arith.constant 0 : i32
      %cond3A_75 = arith.cmpi ne, %convert_element_type3A_73, %cond3A_74 : i32
      %cond3A_76:2 = scf.if %cond3A_75 -> (i32, i32) {
        %sub3A_77 = arith.constant 31 : i32
        %sub3A_78 = arith.subi %sub3A_77, %scan3A_68 : i32
        %shift_left3A = arith.constant 1 : i32
        %shift_left3A_79 = arith.shli %shift_left3A, %sub3A_78 : i32
        %or3A = arith.ori %scan3A_69, %shift_left3A_79 : i32
        %broadcast_in_dim3A_80 = vector.broadcast %or3A : i32 to vector<16xi32>
        %scan3A_81 = arith.constant 0 : i32
        %scan3A_82 = arith.constant 128 : i32
        %scan3A_83 = arith.addi %scan3A_81, %scan3A_82 : i32
        %scan3A_84 = arith.constant 4 : i32
        %scan3A_85 = scf.for %scan3A_137 = %scan3A_81 to %scan3A_83 step %scan3A_84 iter_args(%scan3A_138 = %broadcast_in_dim3A_37) -> (vector<16xi32>)  : i32 {
          %mul3A_139 = arith.constant 16 : i32
          %mul3A_140 = arith.muli %scan3A_137, %mul3A_139 : i32
          %get3A = arith.index_cast %mul3A_140 : i32 to index
          %get3A_141 = tpu.vector_load %arg5[%get3A] {strides = array<i32>} : memref<2048xi32, #tpu.memory_space<vmem>>, vector<16xi32>,
          %get3A_142 = vector.shape_cast %get3A_141 : vector<16xi32> to vector<16xi32>
          %ge3A_143 = arith.cmpi uge, %get3A_142, %broadcast_in_dim3A_80 : vector<16xi32>
          %select_n3A_144 = arith.select %ge3A_143, %broadcast_in_dim3A_35, %broadcast_in_dim3A_37 : vector<16xi1>, vector<16xi32>
          %add3A_145 = arith.addi %scan3A_138, %select_n3A_144 : vector<16xi32>
          %scan3A_146 = arith.constant 1 : i32
          %scan3A_147 = arith.addi %scan3A_137, %scan3A_146 : i32
          %mul3A_148 = arith.constant 16 : i32
          %mul3A_149 = arith.muli %scan3A_147, %mul3A_148 : i32
          %get3A_150 = arith.index_cast %mul3A_149 : i32 to index
          %get3A_151 = tpu.vector_load %arg5[%get3A_150] {strides = array<i32>} : memref<2048xi32, #tpu.memory_space<vmem>>, vector<16xi32>,
          %get3A_152 = vector.shape_cast %get3A_151 : vector<16xi32> to vector<16xi32>
          %ge3A_153 = arith.cmpi uge, %get3A_152, %broadcast_in_dim3A_80 : vector<16xi32>
          %select_n3A_154 = arith.select %ge3A_153, %broadcast_in_dim3A_35, %broadcast_in_dim3A_37 : vector<16xi1>, vector<16xi32>
          %add3A_155 = arith.addi %add3A_145, %select_n3A_154 : vector<16xi32>
          %scan3A_156 = arith.constant 2 : i32
          %scan3A_157 = arith.addi %scan3A_137, %scan3A_156 : i32
          %mul3A_158 = arith.constant 16 : i32
          %mul3A_159 = arith.muli %scan3A_157, %mul3A_158 : i32
          %get3A_160 = arith.index_cast %mul3A_159 : i32 to index
          %get3A_161 = tpu.vector_load %arg5[%get3A_160] {strides = array<i32>} : memref<2048xi32, #tpu.memory_space<vmem>>, vector<16xi32>,
          %get3A_162 = vector.shape_cast %get3A_161 : vector<16xi32> to vector<16xi32>
          %ge3A_163 = arith.cmpi uge, %get3A_162, %broadcast_in_dim3A_80 : vector<16xi32>
          %select_n3A_164 = arith.select %ge3A_163, %broadcast_in_dim3A_35, %broadcast_in_dim3A_37 : vector<16xi1>, vector<16xi32>
          %add3A_165 = arith.addi %add3A_155, %select_n3A_164 : vector<16xi32>
          %scan3A_166 = arith.constant 3 : i32
          %scan3A_167 = arith.addi %scan3A_137, %scan3A_166 : i32
          %mul3A_168 = arith.constant 16 : i32
          %mul3A_169 = arith.muli %scan3A_167, %mul3A_168 : i32
          %get3A_170 = arith.index_cast %mul3A_169 : i32 to index
          %get3A_171 = tpu.vector_load %arg5[%get3A_170] {strides = array<i32>} : memref<2048xi32, #tpu.memory_space<vmem>>, vector<16xi32>,
          %get3A_172 = vector.shape_cast %get3A_171 : vector<16xi32> to vector<16xi32>
          %ge3A_173 = arith.cmpi uge, %get3A_172, %broadcast_in_dim3A_80 : vector<16xi32>
          %select_n3A_174 = arith.select %ge3A_173, %broadcast_in_dim3A_35, %broadcast_in_dim3A_37 : vector<16xi1>, vector<16xi32>
          %add3A_175 = arith.addi %add3A_165, %select_n3A_174 : vector<16xi32>
          scf.yield %add3A_175 : vector<16xi32>
        }
        %scan3A_86 = arith.constant 128 : i32
        %slice3A = vector.extract_strided_slice %scan3A_85 {offsets = [0], sizes = [1], strides = [1]} : vector<16xi32> to vector<1xi32>
        %squeeze3A = vector.extract %slice3A[0] : i32 from vector<1xi32>
        %add3A_87 = arith.constant 0 : i32
        %add3A_88 = arith.addi %add3A_87, %squeeze3A : i32
        %slice3A_89 = vector.extract_strided_slice %scan3A_85 {offsets = [1], sizes = [1], strides = [1]} : vector<16xi32> to vector<1xi32>
        %squeeze3A_90 = vector.extract %slice3A_89[0] : i32 from vector<1xi32>
        %add3A_91 = arith.addi %add3A_88, %squeeze3A_90 : i32
        %slice3A_92 = vector.extract_strided_slice %scan3A_85 {offsets = [2], sizes = [1], strides = [1]} : vector<16xi32> to vector<1xi32>
        %squeeze3A_93 = vector.extract %slice3A_92[0] : i32 from vector<1xi32>
        %add3A_94 = arith.addi %add3A_91, %squeeze3A_93 : i32
        %slice3A_95 = vector.extract_strided_slice %scan3A_85 {offsets = [3], sizes = [1], strides = [1]} : vector<16xi32> to vector<1xi32>
        %squeeze3A_96 = vector.extract %slice3A_95[0] : i32 from vector<1xi32>
        %add3A_97 = arith.addi %add3A_94, %squeeze3A_96 : i32
        %slice3A_98 = vector.extract_strided_slice %scan3A_85 {offsets = [4], sizes = [1], strides = [1]} : vector<16xi32> to vector<1xi32>
        %squeeze3A_99 = vector.extract %slice3A_98[0] : i32 from vector<1xi32>
        %add3A_100 = arith.addi %add3A_97, %squeeze3A_99 : i32
        %slice3A_101 = vector.extract_strided_slice %scan3A_85 {offsets = [5], sizes = [1], strides = [1]} : vector<16xi32> to vector<1xi32>
        %squeeze3A_102 = vector.extract %slice3A_101[0] : i32 from vector<1xi32>
        %add3A_103 = arith.addi %add3A_100, %squeeze3A_102 : i32
        %slice3A_104 = vector.extract_strided_slice %scan3A_85 {offsets = [6], sizes = [1], strides = [1]} : vector<16xi32> to vector<1xi32>
        %squeeze3A_105 = vector.extract %slice3A_104[0] : i32 from vector<1xi32>
        %add3A_106 = arith.addi %add3A_103, %squeeze3A_105 : i32
        %slice3A_107 = vector.extract_strided_slice %scan3A_85 {offsets = [7], sizes = [1], strides = [1]} : vector<16xi32> to vector<1xi32>
        %squeeze3A_108 = vector.extract %slice3A_107[0] : i32 from vector<1xi32>
        %add3A_109 = arith.addi %add3A_106, %squeeze3A_108 : i32
        %slice3A_110 = vector.extract_strided_slice %scan3A_85 {offsets = [8], sizes = [1], strides = [1]} : vector<16xi32> to vector<1xi32>
        %squeeze3A_111 = vector.extract %slice3A_110[0] : i32 from vector<1xi32>
        %add3A_112 = arith.addi %add3A_109, %squeeze3A_111 : i32
        %slice3A_113 = vector.extract_strided_slice %scan3A_85 {offsets = [9], sizes = [1], strides = [1]} : vector<16xi32> to vector<1xi32>
        %squeeze3A_114 = vector.extract %slice3A_113[0] : i32 from vector<1xi32>
        %add3A_115 = arith.addi %add3A_112, %squeeze3A_114 : i32
        %slice3A_116 = vector.extract_strided_slice %scan3A_85 {offsets = [10], sizes = [1], strides = [1]} : vector<16xi32> to vector<1xi32>
        %squeeze3A_117 = vector.extract %slice3A_116[0] : i32 from vector<1xi32>
        %add3A_118 = arith.addi %add3A_115, %squeeze3A_117 : i32
        %slice3A_119 = vector.extract_strided_slice %scan3A_85 {offsets = [11], sizes = [1], strides = [1]} : vector<16xi32> to vector<1xi32>
        %squeeze3A_120 = vector.extract %slice3A_119[0] : i32 from vector<1xi32>
        %add3A_121 = arith.addi %add3A_118, %squeeze3A_120 : i32
        %slice3A_122 = vector.extract_strided_slice %scan3A_85 {offsets = [12], sizes = [1], strides = [1]} : vector<16xi32> to vector<1xi32>
        %squeeze3A_123 = vector.extract %slice3A_122[0] : i32 from vector<1xi32>
        %add3A_124 = arith.addi %add3A_121, %squeeze3A_123 : i32
        %slice3A_125 = vector.extract_strided_slice %scan3A_85 {offsets = [13], sizes = [1], strides = [1]} : vector<16xi32> to vector<1xi32>
        %squeeze3A_126 = vector.extract %slice3A_125[0] : i32 from vector<1xi32>
        %add3A_127 = arith.addi %add3A_124, %squeeze3A_126 : i32
        %slice3A_128 = vector.extract_strided_slice %scan3A_85 {offsets = [14], sizes = [1], strides = [1]} : vector<16xi32> to vector<1xi32>
        %squeeze3A_129 = vector.extract %slice3A_128[0] : i32 from vector<1xi32>
        %add3A_130 = arith.addi %add3A_127, %squeeze3A_129 : i32
        %slice3A_131 = vector.extract_strided_slice %scan3A_85 {offsets = [15], sizes = [1], strides = [1]} : vector<16xi32> to vector<1xi32>
        %squeeze3A_132 = vector.extract %slice3A_131[0] : i32 from vector<1xi32>
        %add3A_133 = arith.addi %add3A_130, %squeeze3A_132 : i32
        %ge3A = arith.constant 205 : i32
        %ge3A_134 = arith.cmpi sge, %add3A_133, %ge3A : i32
        %select_n3A_135 = arith.select %ge3A_134, %or3A, %scan3A_69 : i32
        %select_n3A_136 = arith.select %ge3A_134, %add3A_133, %scan3A_70 : i32
        scf.yield %select_n3A_135, %select_n3A_136 : i32, i32
      } else {
        scf.yield %scan3A_69, %scan3A_70 : i32, i32
      }
      scf.yield %cond3A_76#0, %cond3A_76#1 : i32, i32
    }
    %scan3A_54 = arith.constant 32 : i32
    %broadcast_in_dim3A_55 = vector.broadcast %scan3A_53#0 : i32 to vector<16xi32>
    %eq3A_56 = arith.constant 205 : i32
    %eq3A_57 = arith.cmpi eq, %scan3A_53#1, %eq3A_56 : i32
    %convert_element_type3A = arith.extui %eq3A_57 : i1 to i32
    %cond3A = arith.constant 0 : i32
    %cond3A_58 = arith.cmpi ne, %convert_element_type3A, %cond3A : i32
    scf.if %cond3A_58 {
      %mul3A_68 = arith.constant 32 : i32
      %mul3A_69 = arith.muli %select_n3A_30, %mul3A_68 : i32
      %add3A_70 = arith.constant 1 : i32
      %add3A_71 = arith.addi %select_n3A_30, %add3A_70 : i32
      %mul3A_72 = arith.constant 32 : i32
      %mul3A_73 = arith.muli %add3A_71, %mul3A_72 : i32
      %while3A = arith.constant 0 : i32
      %while3A_74 = arith.subi %mul3A_73, %mul3A_69 : i32
      %while3A_75 = arith.addi %mul3A_69, %while3A_74 : i32
      %while3A_76 = arith.constant 1 : i32
      %while3A_77 = arith.divsi %while3A_74, %while3A_76 : i32
      %while3A_78 = arith.muli %while3A_77, %while3A_76 : i32
      %while3A_79 = arith.addi %mul3A_69, %while3A_78 : i32
      %while3A_80 = arith.constant 1 : i32
      scf.for %while3A_82 = %mul3A_69 to %while3A_79 step %while3A_80  : i32 {
        %mul3A_83 = arith.constant 16 : i32
        %mul3A_84 = arith.muli %while3A_82, %mul3A_83 : i32
        %get3A = arith.index_cast %mul3A_84 : i32 to index
        %get3A_85 = tpu.vector_load %arg5[%get3A] {strides = array<i32>} : memref<2048xi32, #tpu.memory_space<vmem>>, vector<16xi32>,
        %get3A_86 = vector.shape_cast %get3A_85 : vector<16xi32> to vector<16xi32>
        %ge3A = arith.cmpi uge, %get3A_86, %broadcast_in_dim3A_55 : vector<16xi32>
        %select_n3A_87 = arith.select %ge3A, %broadcast_in_dim3A_39, %broadcast_in_dim3A_41 : vector<16xi1>, vector<16xf32>
        %mul3A_88 = arith.constant 16 : i32
        %mul3A_89 = arith.muli %while3A_82, %mul3A_88 : i32
        %swap3A = arith.index_cast %mul3A_89 : i32 to index
        %swap3A_90 = tpu.vector_load %arg6[%swap3A] {strides = array<i32>} : memref<2048xf32, #tpu.memory_space<vmem>>, vector<16xf32>,
        %swap3A_91 = vector.shape_cast %swap3A_90 : vector<16xf32> to vector<16xf32>
        %swap3A_92 = vector.shape_cast %select_n3A_87 : vector<16xf32> to vector<16xf32>
        tpu.vector_store %arg6[%swap3A], %swap3A_92 {strides = array<i32>} : memref<2048xf32, #tpu.memory_space<vmem>>, vector<16xf32>,
      }
      %while3A_81 = arith.constant 1 : i32
      scf.for %while3A_82 = %while3A_79 to %while3A_75 step %while3A_81  : i32 {
        %mul3A_83 = arith.constant 16 : i32
        %mul3A_84 = arith.muli %while3A_82, %mul3A_83 : i32
        %get3A = arith.index_cast %mul3A_84 : i32 to index
        %get3A_85 = tpu.vector_load %arg5[%get3A] {strides = array<i32>} : memref<2048xi32, #tpu.memory_space<vmem>>, vector<16xi32>,
        %get3A_86 = vector.shape_cast %get3A_85 : vector<16xi32> to vector<16xi32>
        %ge3A = arith.cmpi uge, %get3A_86, %broadcast_in_dim3A_55 : vector<16xi32>
        %select_n3A_87 = arith.select %ge3A, %broadcast_in_dim3A_39, %broadcast_in_dim3A_41 : vector<16xi1>, vector<16xf32>
        %mul3A_88 = arith.constant 16 : i32
        %mul3A_89 = arith.muli %while3A_82, %mul3A_88 : i32
        %swap3A = arith.index_cast %mul3A_89 : i32 to index
        %swap3A_90 = tpu.vector_load %arg6[%swap3A] {strides = array<i32>} : memref<2048xf32, #tpu.memory_space<vmem>>, vector<16xf32>,
        %swap3A_91 = vector.shape_cast %swap3A_90 : vector<16xf32> to vector<16xf32>
        %swap3A_92 = vector.shape_cast %select_n3A_87 : vector<16xf32> to vector<16xf32>
        tpu.vector_store %arg6[%swap3A], %swap3A_92 {strides = array<i32>} : memref<2048xf32, #tpu.memory_space<vmem>>, vector<16xf32>,
      }
    } else {
    }
    %ne3A_59 = arith.constant 205 : i32
    %ne3A_60 = arith.cmpi ne, %scan3A_53#1, %ne3A_59 : i32
    %convert_element_type3A_61 = arith.extui %ne3A_60 : i1 to i32
    %cond3A_62 = arith.constant 0 : i32
    %cond3A_63 = arith.cmpi ne, %convert_element_type3A_61, %cond3A_62 : i32
    scf.if %cond3A_63 {
      %scan3A_68 = arith.constant 0 : i32
      %scan3A_69 = arith.constant 128 : i32
      %scan3A_70 = arith.addi %scan3A_68, %scan3A_69 : i32
      %scan3A_71 = arith.constant 4 : i32
      %scan3A_72 = scf.for %scan3A_193 = %scan3A_68 to %scan3A_70 step %scan3A_71 iter_args(%scan3A_194 = %broadcast_in_dim3A_37) -> (vector<16xi32>)  : i32 {
        %mul3A_195 = arith.constant 16 : i32
        %mul3A_196 = arith.muli %scan3A_193, %mul3A_195 : i32
        %get3A = arith.index_cast %mul3A_196 : i32 to index
        %get3A_197 = tpu.vector_load %arg5[%get3A] {strides = array<i32>} : memref<2048xi32, #tpu.memory_space<vmem>>, vector<16xi32>,
        %get3A_198 = vector.shape_cast %get3A_197 : vector<16xi32> to vector<16xi32>
        %gt3A = arith.cmpi ugt, %get3A_198, %broadcast_in_dim3A_55 : vector<16xi32>
        %select_n3A_199 = arith.select %gt3A, %broadcast_in_dim3A_35, %broadcast_in_dim3A_37 : vector<16xi1>, vector<16xi32>
        %add3A_200 = arith.addi %scan3A_194, %select_n3A_199 : vector<16xi32>
        %scan3A_201 = arith.constant 1 : i32
        %scan3A_202 = arith.addi %scan3A_193, %scan3A_201 : i32
        %mul3A_203 = arith.constant 16 : i32
        %mul3A_204 = arith.muli %scan3A_202, %mul3A_203 : i32
        %get3A_205 = arith.index_cast %mul3A_204 : i32 to index
        %get3A_206 = tpu.vector_load %arg5[%get3A_205] {strides = array<i32>} : memref<2048xi32, #tpu.memory_space<vmem>>, vector<16xi32>,
        %get3A_207 = vector.shape_cast %get3A_206 : vector<16xi32> to vector<16xi32>
        %gt3A_208 = arith.cmpi ugt, %get3A_207, %broadcast_in_dim3A_55 : vector<16xi32>
        %select_n3A_209 = arith.select %gt3A_208, %broadcast_in_dim3A_35, %broadcast_in_dim3A_37 : vector<16xi1>, vector<16xi32>
        %add3A_210 = arith.addi %add3A_200, %select_n3A_209 : vector<16xi32>
        %scan3A_211 = arith.constant 2 : i32
        %scan3A_212 = arith.addi %scan3A_193, %scan3A_211 : i32
        %mul3A_213 = arith.constant 16 : i32
        %mul3A_214 = arith.muli %scan3A_212, %mul3A_213 : i32
        %get3A_215 = arith.index_cast %mul3A_214 : i32 to index
        %get3A_216 = tpu.vector_load %arg5[%get3A_215] {strides = array<i32>} : memref<2048xi32, #tpu.memory_space<vmem>>, vector<16xi32>,
        %get3A_217 = vector.shape_cast %get3A_216 : vector<16xi32> to vector<16xi32>
        %gt3A_218 = arith.cmpi ugt, %get3A_217, %broadcast_in_dim3A_55 : vector<16xi32>
        %select_n3A_219 = arith.select %gt3A_218, %broadcast_in_dim3A_35, %broadcast_in_dim3A_37 : vector<16xi1>, vector<16xi32>
        %add3A_220 = arith.addi %add3A_210, %select_n3A_219 : vector<16xi32>
        %scan3A_221 = arith.constant 3 : i32
        %scan3A_222 = arith.addi %scan3A_193, %scan3A_221 : i32
        %mul3A_223 = arith.constant 16 : i32
        %mul3A_224 = arith.muli %scan3A_222, %mul3A_223 : i32
        %get3A_225 = arith.index_cast %mul3A_224 : i32 to index
        %get3A_226 = tpu.vector_load %arg5[%get3A_225] {strides = array<i32>} : memref<2048xi32, #tpu.memory_space<vmem>>, vector<16xi32>,
        %get3A_227 = vector.shape_cast %get3A_226 : vector<16xi32> to vector<16xi32>
        %gt3A_228 = arith.cmpi ugt, %get3A_227, %broadcast_in_dim3A_55 : vector<16xi32>
        %select_n3A_229 = arith.select %gt3A_228, %broadcast_in_dim3A_35, %broadcast_in_dim3A_37 : vector<16xi1>, vector<16xi32>
        %add3A_230 = arith.addi %add3A_220, %select_n3A_229 : vector<16xi32>
        scf.yield %add3A_230 : vector<16xi32>
      }
      %scan3A_73 = arith.constant 128 : i32
      %slice3A = vector.extract_strided_slice %scan3A_72 {offsets = [0], sizes = [1], strides = [1]} : vector<16xi32> to vector<1xi32>
      %squeeze3A = vector.extract %slice3A[0] : i32 from vector<1xi32>
      %add3A_74 = arith.constant 0 : i32
      %add3A_75 = arith.addi %add3A_74, %squeeze3A : i32
      %slice3A_76 = vector.extract_strided_slice %scan3A_72 {offsets = [1], sizes = [1], strides = [1]} : vector<16xi32> to vector<1xi32>
      %squeeze3A_77 = vector.extract %slice3A_76[0] : i32 from vector<1xi32>
      %add3A_78 = arith.addi %add3A_75, %squeeze3A_77 : i32
      %slice3A_79 = vector.extract_strided_slice %scan3A_72 {offsets = [2], sizes = [1], strides = [1]} : vector<16xi32> to vector<1xi32>
      %squeeze3A_80 = vector.extract %slice3A_79[0] : i32 from vector<1xi32>
      %add3A_81 = arith.addi %add3A_78, %squeeze3A_80 : i32
      %slice3A_82 = vector.extract_strided_slice %scan3A_72 {offsets = [3], sizes = [1], strides = [1]} : vector<16xi32> to vector<1xi32>
      %squeeze3A_83 = vector.extract %slice3A_82[0] : i32 from vector<1xi32>
      %add3A_84 = arith.addi %add3A_81, %squeeze3A_83 : i32
      %slice3A_85 = vector.extract_strided_slice %scan3A_72 {offsets = [4], sizes = [1], strides = [1]} : vector<16xi32> to vector<1xi32>
      %squeeze3A_86 = vector.extract %slice3A_85[0] : i32 from vector<1xi32>
      %add3A_87 = arith.addi %add3A_84, %squeeze3A_86 : i32
      %slice3A_88 = vector.extract_strided_slice %scan3A_72 {offsets = [5], sizes = [1], strides = [1]} : vector<16xi32> to vector<1xi32>
      %squeeze3A_89 = vector.extract %slice3A_88[0] : i32 from vector<1xi32>
      %add3A_90 = arith.addi %add3A_87, %squeeze3A_89 : i32
      %slice3A_91 = vector.extract_strided_slice %scan3A_72 {offsets = [6], sizes = [1], strides = [1]} : vector<16xi32> to vector<1xi32>
      %squeeze3A_92 = vector.extract %slice3A_91[0] : i32 from vector<1xi32>
      %add3A_93 = arith.addi %add3A_90, %squeeze3A_92 : i32
      %slice3A_94 = vector.extract_strided_slice %scan3A_72 {offsets = [7], sizes = [1], strides = [1]} : vector<16xi32> to vector<1xi32>
      %squeeze3A_95 = vector.extract %slice3A_94[0] : i32 from vector<1xi32>
      %add3A_96 = arith.addi %add3A_93, %squeeze3A_95 : i32
      %slice3A_97 = vector.extract_strided_slice %scan3A_72 {offsets = [8], sizes = [1], strides = [1]} : vector<16xi32> to vector<1xi32>
      %squeeze3A_98 = vector.extract %slice3A_97[0] : i32 from vector<1xi32>
      %add3A_99 = arith.addi %add3A_96, %squeeze3A_98 : i32
      %slice3A_100 = vector.extract_strided_slice %scan3A_72 {offsets = [9], sizes = [1], strides = [1]} : vector<16xi32> to vector<1xi32>
      %squeeze3A_101 = vector.extract %slice3A_100[0] : i32 from vector<1xi32>
      %add3A_102 = arith.addi %add3A_99, %squeeze3A_101 : i32
      %slice3A_103 = vector.extract_strided_slice %scan3A_72 {offsets = [10], sizes = [1], strides = [1]} : vector<16xi32> to vector<1xi32>
      %squeeze3A_104 = vector.extract %slice3A_103[0] : i32 from vector<1xi32>
      %add3A_105 = arith.addi %add3A_102, %squeeze3A_104 : i32
      %slice3A_106 = vector.extract_strided_slice %scan3A_72 {offsets = [11], sizes = [1], strides = [1]} : vector<16xi32> to vector<1xi32>
      %squeeze3A_107 = vector.extract %slice3A_106[0] : i32 from vector<1xi32>
      %add3A_108 = arith.addi %add3A_105, %squeeze3A_107 : i32
      %slice3A_109 = vector.extract_strided_slice %scan3A_72 {offsets = [12], sizes = [1], strides = [1]} : vector<16xi32> to vector<1xi32>
      %squeeze3A_110 = vector.extract %slice3A_109[0] : i32 from vector<1xi32>
      %add3A_111 = arith.addi %add3A_108, %squeeze3A_110 : i32
      %slice3A_112 = vector.extract_strided_slice %scan3A_72 {offsets = [13], sizes = [1], strides = [1]} : vector<16xi32> to vector<1xi32>
      %squeeze3A_113 = vector.extract %slice3A_112[0] : i32 from vector<1xi32>
      %add3A_114 = arith.addi %add3A_111, %squeeze3A_113 : i32
      %slice3A_115 = vector.extract_strided_slice %scan3A_72 {offsets = [14], sizes = [1], strides = [1]} : vector<16xi32> to vector<1xi32>
      %squeeze3A_116 = vector.extract %slice3A_115[0] : i32 from vector<1xi32>
      %add3A_117 = arith.addi %add3A_114, %squeeze3A_116 : i32
      %slice3A_118 = vector.extract_strided_slice %scan3A_72 {offsets = [15], sizes = [1], strides = [1]} : vector<16xi32> to vector<1xi32>
      %squeeze3A_119 = vector.extract %slice3A_118[0] : i32 from vector<1xi32>
      %add3A_120 = arith.addi %add3A_117, %squeeze3A_119 : i32
      %iota3A = tpu.iota {dimensions = array<i32: 0>} : vector<16xi32>
      %broadcast_in_dim3A_121 = arith.constant 0 : i32
      %broadcast_in_dim3A_122 = vector.broadcast %broadcast_in_dim3A_121 : i32 to vector<16xi32>
      %eq3A_123 = arith.cmpi eq, %iota3A, %broadcast_in_dim3A_122 : vector<16xi32>
      %select_n3A_124 = arith.select %eq3A_123, %broadcast_in_dim3A_35, %broadcast_in_dim3A_37 : vector<16xi1>, vector<16xi32>
      %broadcast_in_dim3A_125 = arith.constant 1 : i32
      %broadcast_in_dim3A_126 = vector.broadcast %broadcast_in_dim3A_125 : i32 to vector<16xi32>
      %eq3A_127 = arith.cmpi eq, %iota3A, %broadcast_in_dim3A_126 : vector<16xi32>
      %select_n3A_128 = arith.select %eq3A_127, %broadcast_in_dim3A_35, %broadcast_in_dim3A_37 : vector<16xi1>, vector<16xi32>
      %broadcast_in_dim3A_129 = arith.constant 2 : i32
      %broadcast_in_dim3A_130 = vector.broadcast %broadcast_in_dim3A_129 : i32 to vector<16xi32>
      %eq3A_131 = arith.cmpi eq, %iota3A, %broadcast_in_dim3A_130 : vector<16xi32>
      %select_n3A_132 = arith.select %eq3A_131, %broadcast_in_dim3A_35, %broadcast_in_dim3A_37 : vector<16xi1>, vector<16xi32>
      %broadcast_in_dim3A_133 = arith.constant 3 : i32
      %broadcast_in_dim3A_134 = vector.broadcast %broadcast_in_dim3A_133 : i32 to vector<16xi32>
      %eq3A_135 = arith.cmpi eq, %iota3A, %broadcast_in_dim3A_134 : vector<16xi32>
      %select_n3A_136 = arith.select %eq3A_135, %broadcast_in_dim3A_35, %broadcast_in_dim3A_37 : vector<16xi1>, vector<16xi32>
      %broadcast_in_dim3A_137 = arith.constant 4 : i32
      %broadcast_in_dim3A_138 = vector.broadcast %broadcast_in_dim3A_137 : i32 to vector<16xi32>
      %eq3A_139 = arith.cmpi eq, %iota3A, %broadcast_in_dim3A_138 : vector<16xi32>
      %select_n3A_140 = arith.select %eq3A_139, %broadcast_in_dim3A_35, %broadcast_in_dim3A_37 : vector<16xi1>, vector<16xi32>
      %broadcast_in_dim3A_141 = arith.constant 5 : i32
      %broadcast_in_dim3A_142 = vector.broadcast %broadcast_in_dim3A_141 : i32 to vector<16xi32>
      %eq3A_143 = arith.cmpi eq, %iota3A, %broadcast_in_dim3A_142 : vector<16xi32>
      %select_n3A_144 = arith.select %eq3A_143, %broadcast_in_dim3A_35, %broadcast_in_dim3A_37 : vector<16xi1>, vector<16xi32>
      %broadcast_in_dim3A_145 = arith.constant 6 : i32
      %broadcast_in_dim3A_146 = vector.broadcast %broadcast_in_dim3A_145 : i32 to vector<16xi32>
      %eq3A_147 = arith.cmpi eq, %iota3A, %broadcast_in_dim3A_146 : vector<16xi32>
      %select_n3A_148 = arith.select %eq3A_147, %broadcast_in_dim3A_35, %broadcast_in_dim3A_37 : vector<16xi1>, vector<16xi32>
      %broadcast_in_dim3A_149 = arith.constant 7 : i32
      %broadcast_in_dim3A_150 = vector.broadcast %broadcast_in_dim3A_149 : i32 to vector<16xi32>
      %eq3A_151 = arith.cmpi eq, %iota3A, %broadcast_in_dim3A_150 : vector<16xi32>
      %select_n3A_152 = arith.select %eq3A_151, %broadcast_in_dim3A_35, %broadcast_in_dim3A_37 : vector<16xi1>, vector<16xi32>
      %broadcast_in_dim3A_153 = arith.constant 8 : i32
      %broadcast_in_dim3A_154 = vector.broadcast %broadcast_in_dim3A_153 : i32 to vector<16xi32>
      %eq3A_155 = arith.cmpi eq, %iota3A, %broadcast_in_dim3A_154 : vector<16xi32>
      %select_n3A_156 = arith.select %eq3A_155, %broadcast_in_dim3A_35, %broadcast_in_dim3A_37 : vector<16xi1>, vector<16xi32>
      %broadcast_in_dim3A_157 = arith.constant 9 : i32
      %broadcast_in_dim3A_158 = vector.broadcast %broadcast_in_dim3A_157 : i32 to vector<16xi32>
      %eq3A_159 = arith.cmpi eq, %iota3A, %broadcast_in_dim3A_158 : vector<16xi32>
      %select_n3A_160 = arith.select %eq3A_159, %broadcast_in_dim3A_35, %broadcast_in_dim3A_37 : vector<16xi1>, vector<16xi32>
      %broadcast_in_dim3A_161 = arith.constant 10 : i32
      %broadcast_in_dim3A_162 = vector.broadcast %broadcast_in_dim3A_161 : i32 to vector<16xi32>
      %eq3A_163 = arith.cmpi eq, %iota3A, %broadcast_in_dim3A_162 : vector<16xi32>
      %select_n3A_164 = arith.select %eq3A_163, %broadcast_in_dim3A_35, %broadcast_in_dim3A_37 : vector<16xi1>, vector<16xi32>
      %broadcast_in_dim3A_165 = arith.constant 11 : i32
      %broadcast_in_dim3A_166 = vector.broadcast %broadcast_in_dim3A_165 : i32 to vector<16xi32>
      %eq3A_167 = arith.cmpi eq, %iota3A, %broadcast_in_dim3A_166 : vector<16xi32>
      %select_n3A_168 = arith.select %eq3A_167, %broadcast_in_dim3A_35, %broadcast_in_dim3A_37 : vector<16xi1>, vector<16xi32>
      %broadcast_in_dim3A_169 = arith.constant 12 : i32
      %broadcast_in_dim3A_170 = vector.broadcast %broadcast_in_dim3A_169 : i32 to vector<16xi32>
      %eq3A_171 = arith.cmpi eq, %iota3A, %broadcast_in_dim3A_170 : vector<16xi32>
      %select_n3A_172 = arith.select %eq3A_171, %broadcast_in_dim3A_35, %broadcast_in_dim3A_37 : vector<16xi1>, vector<16xi32>
      %broadcast_in_dim3A_173 = arith.constant 13 : i32
      %broadcast_in_dim3A_174 = vector.broadcast %broadcast_in_dim3A_173 : i32 to vector<16xi32>
      %eq3A_175 = arith.cmpi eq, %iota3A, %broadcast_in_dim3A_174 : vector<16xi32>
      %select_n3A_176 = arith.select %eq3A_175, %broadcast_in_dim3A_35, %broadcast_in_dim3A_37 : vector<16xi1>, vector<16xi32>
      %broadcast_in_dim3A_177 = arith.constant 14 : i32
      %broadcast_in_dim3A_178 = vector.broadcast %broadcast_in_dim3A_177 : i32 to vector<16xi32>
      %eq3A_179 = arith.cmpi eq, %iota3A, %broadcast_in_dim3A_178 : vector<16xi32>
      %select_n3A_180 = arith.select %eq3A_179, %broadcast_in_dim3A_35, %broadcast_in_dim3A_37 : vector<16xi1>, vector<16xi32>
      %broadcast_in_dim3A_181 = arith.constant 15 : i32
      %broadcast_in_dim3A_182 = vector.broadcast %broadcast_in_dim3A_181 : i32 to vector<16xi32>
      %eq3A_183 = arith.cmpi eq, %iota3A, %broadcast_in_dim3A_182 : vector<16xi32>
      %select_n3A_184 = arith.select %eq3A_183, %broadcast_in_dim3A_35, %broadcast_in_dim3A_37 : vector<16xi1>, vector<16xi32>
      %sub3A_185 = arith.constant 205 : i32
      %sub3A_186 = arith.subi %sub3A_185, %add3A_120 : i32
      %scan3A_187 = arith.constant 0 : i32
      %scan3A_188 = arith.constant 128 : i32
      %scan3A_189 = arith.addi %scan3A_187, %scan3A_188 : i32
      %scan3A_190 = arith.constant 1 : i32
      %scan3A_191 = scf.for %scan3A_193 = %scan3A_187 to %scan3A_189 step %scan3A_190 iter_args(%scan3A_194 = %sub3A_186) -> (i32)  : i32 {
        %mul3A_195 = arith.constant 16 : i32
        %mul3A_196 = arith.muli %scan3A_193, %mul3A_195 : i32
        %get3A = arith.index_cast %mul3A_196 : i32 to index
        %get3A_197 = tpu.vector_load %arg5[%get3A] {strides = array<i32>} : memref<2048xi32, #tpu.memory_space<vmem>>, vector<16xi32>,
        %get3A_198 = vector.shape_cast %get3A_197 : vector<16xi32> to vector<16xi32>
        %gt3A = arith.cmpi ugt, %get3A_198, %broadcast_in_dim3A_55 : vector<16xi32>
        %eq3A_199 = arith.cmpi eq, %get3A_198, %broadcast_in_dim3A_55 : vector<16xi32>
        %select_n3A_200 = arith.select %eq3A_199, %broadcast_in_dim3A_35, %broadcast_in_dim3A_37 : vector<16xi1>, vector<16xi32>
        %slice3A_201 = vector.extract_strided_slice %select_n3A_200 {offsets = [0], sizes = [1], strides = [1]} : vector<16xi32> to vector<1xi32>
        %squeeze3A_202 = vector.extract %slice3A_201[0] : i32 from vector<1xi32>
        %gt3A_203 = arith.constant 0 : i32
        %gt3A_204 = arith.cmpi sgt, %squeeze3A_202, %gt3A_203 : i32
        %gt3A_205 = arith.constant 0 : i32
        %gt3A_206 = arith.cmpi sgt, %scan3A_194, %gt3A_205 : i32
        %and3A_207 = arith.andi %gt3A_204, %gt3A_206 : i1
        %jit3A_208 = arith.constant 1 : i32
        %jit3A_209 = arith.constant 0 : i32
        %select_n3A_210 = arith.select %and3A_207, %jit3A_208, %jit3A_209 : i32
        %sub3A_211 = arith.subi %scan3A_194, %select_n3A_210 : i32
        %broadcast_in_dim3A_212 = vector.broadcast %select_n3A_210 : i32 to vector<16xi32>
        %mul3A_213 = arith.muli %select_n3A_124, %broadcast_in_dim3A_212 : vector<16xi32>
        %add3A_214 = arith.addi %broadcast_in_dim3A_37, %mul3A_213 : vector<16xi32>
        %slice3A_215 = vector.extract_strided_slice %select_n3A_200 {offsets = [1], sizes = [1], strides = [1]} : vector<16xi32> to vector<1xi32>
        %squeeze3A_216 = vector.extract %slice3A_215[0] : i32 from vector<1xi32>
        %gt3A_217 = arith.constant 0 : i32
        %gt3A_218 = arith.cmpi sgt, %squeeze3A_216, %gt3A_217 : i32
        %gt3A_219 = arith.constant 0 : i32
        %gt3A_220 = arith.cmpi sgt, %sub3A_211, %gt3A_219 : i32
        %and3A_221 = arith.andi %gt3A_218, %gt3A_220 : i1
        %jit3A_222 = arith.constant 1 : i32
        %jit3A_223 = arith.constant 0 : i32
        %select_n3A_224 = arith.select %and3A_221, %jit3A_222, %jit3A_223 : i32
        %sub3A_225 = arith.subi %sub3A_211, %select_n3A_224 : i32
        %broadcast_in_dim3A_226 = vector.broadcast %select_n3A_224 : i32 to vector<16xi32>
        %mul3A_227 = arith.muli %select_n3A_128, %broadcast_in_dim3A_226 : vector<16xi32>
        %add3A_228 = arith.addi %add3A_214, %mul3A_227 : vector<16xi32>
        %slice3A_229 = vector.extract_strided_slice %select_n3A_200 {offsets = [2], sizes = [1], strides = [1]} : vector<16xi32> to vector<1xi32>
        %squeeze3A_230 = vector.extract %slice3A_229[0] : i32 from vector<1xi32>
        %gt3A_231 = arith.constant 0 : i32
        %gt3A_232 = arith.cmpi sgt, %squeeze3A_230, %gt3A_231 : i32
        %gt3A_233 = arith.constant 0 : i32
        %gt3A_234 = arith.cmpi sgt, %sub3A_225, %gt3A_233 : i32
        %and3A_235 = arith.andi %gt3A_232, %gt3A_234 : i1
        %jit3A_236 = arith.constant 1 : i32
        %jit3A_237 = arith.constant 0 : i32
        %select_n3A_238 = arith.select %and3A_235, %jit3A_236, %jit3A_237 : i32
        %sub3A_239 = arith.subi %sub3A_225, %select_n3A_238 : i32
        %broadcast_in_dim3A_240 = vector.broadcast %select_n3A_238 : i32 to vector<16xi32>
        %mul3A_241 = arith.muli %select_n3A_132, %broadcast_in_dim3A_240 : vector<16xi32>
        %add3A_242 = arith.addi %add3A_228, %mul3A_241 : vector<16xi32>
        %slice3A_243 = vector.extract_strided_slice %select_n3A_200 {offsets = [3], sizes = [1], strides = [1]} : vector<16xi32> to vector<1xi32>
        %squeeze3A_244 = vector.extract %slice3A_243[0] : i32 from vector<1xi32>
        %gt3A_245 = arith.constant 0 : i32
        %gt3A_246 = arith.cmpi sgt, %squeeze3A_244, %gt3A_245 : i32
        %gt3A_247 = arith.constant 0 : i32
        %gt3A_248 = arith.cmpi sgt, %sub3A_239, %gt3A_247 : i32
        %and3A_249 = arith.andi %gt3A_246, %gt3A_248 : i1
        %jit3A_250 = arith.constant 1 : i32
        %jit3A_251 = arith.constant 0 : i32
        %select_n3A_252 = arith.select %and3A_249, %jit3A_250, %jit3A_251 : i32
        %sub3A_253 = arith.subi %sub3A_239, %select_n3A_252 : i32
        %broadcast_in_dim3A_254 = vector.broadcast %select_n3A_252 : i32 to vector<16xi32>
        %mul3A_255 = arith.muli %select_n3A_136, %broadcast_in_dim3A_254 : vector<16xi32>
        %add3A_256 = arith.addi %add3A_242, %mul3A_255 : vector<16xi32>
        %slice3A_257 = vector.extract_strided_slice %select_n3A_200 {offsets = [4], sizes = [1], strides = [1]} : vector<16xi32> to vector<1xi32>
        %squeeze3A_258 = vector.extract %slice3A_257[0] : i32 from vector<1xi32>
        %gt3A_259 = arith.constant 0 : i32
        %gt3A_260 = arith.cmpi sgt, %squeeze3A_258, %gt3A_259 : i32
        %gt3A_261 = arith.constant 0 : i32
        %gt3A_262 = arith.cmpi sgt, %sub3A_253, %gt3A_261 : i32
        %and3A_263 = arith.andi %gt3A_260, %gt3A_262 : i1
        %jit3A_264 = arith.constant 1 : i32
        %jit3A_265 = arith.constant 0 : i32
        %select_n3A_266 = arith.select %and3A_263, %jit3A_264, %jit3A_265 : i32
        %sub3A_267 = arith.subi %sub3A_253, %select_n3A_266 : i32
        %broadcast_in_dim3A_268 = vector.broadcast %select_n3A_266 : i32 to vector<16xi32>
        %mul3A_269 = arith.muli %select_n3A_140, %broadcast_in_dim3A_268 : vector<16xi32>
        %add3A_270 = arith.addi %add3A_256, %mul3A_269 : vector<16xi32>
        %slice3A_271 = vector.extract_strided_slice %select_n3A_200 {offsets = [5], sizes = [1], strides = [1]} : vector<16xi32> to vector<1xi32>
        %squeeze3A_272 = vector.extract %slice3A_271[0] : i32 from vector<1xi32>
        %gt3A_273 = arith.constant 0 : i32
        %gt3A_274 = arith.cmpi sgt, %squeeze3A_272, %gt3A_273 : i32
        %gt3A_275 = arith.constant 0 : i32
        %gt3A_276 = arith.cmpi sgt, %sub3A_267, %gt3A_275 : i32
        %and3A_277 = arith.andi %gt3A_274, %gt3A_276 : i1
        %jit3A_278 = arith.constant 1 : i32
        %jit3A_279 = arith.constant 0 : i32
        %select_n3A_280 = arith.select %and3A_277, %jit3A_278, %jit3A_279 : i32
        %sub3A_281 = arith.subi %sub3A_267, %select_n3A_280 : i32
        %broadcast_in_dim3A_282 = vector.broadcast %select_n3A_280 : i32 to vector<16xi32>
        %mul3A_283 = arith.muli %select_n3A_144, %broadcast_in_dim3A_282 : vector<16xi32>
        %add3A_284 = arith.addi %add3A_270, %mul3A_283 : vector<16xi32>
        %slice3A_285 = vector.extract_strided_slice %select_n3A_200 {offsets = [6], sizes = [1], strides = [1]} : vector<16xi32> to vector<1xi32>
        %squeeze3A_286 = vector.extract %slice3A_285[0] : i32 from vector<1xi32>
        %gt3A_287 = arith.constant 0 : i32
        %gt3A_288 = arith.cmpi sgt, %squeeze3A_286, %gt3A_287 : i32
        %gt3A_289 = arith.constant 0 : i32
        %gt3A_290 = arith.cmpi sgt, %sub3A_281, %gt3A_289 : i32
        %and3A_291 = arith.andi %gt3A_288, %gt3A_290 : i1
        %jit3A_292 = arith.constant 1 : i32
        %jit3A_293 = arith.constant 0 : i32
        %select_n3A_294 = arith.select %and3A_291, %jit3A_292, %jit3A_293 : i32
        %sub3A_295 = arith.subi %sub3A_281, %select_n3A_294 : i32
        %broadcast_in_dim3A_296 = vector.broadcast %select_n3A_294 : i32 to vector<16xi32>
        %mul3A_297 = arith.muli %select_n3A_148, %broadcast_in_dim3A_296 : vector<16xi32>
        %add3A_298 = arith.addi %add3A_284, %mul3A_297 : vector<16xi32>
        %slice3A_299 = vector.extract_strided_slice %select_n3A_200 {offsets = [7], sizes = [1], strides = [1]} : vector<16xi32> to vector<1xi32>
        %squeeze3A_300 = vector.extract %slice3A_299[0] : i32 from vector<1xi32>
        %gt3A_301 = arith.constant 0 : i32
        %gt3A_302 = arith.cmpi sgt, %squeeze3A_300, %gt3A_301 : i32
        %gt3A_303 = arith.constant 0 : i32
        %gt3A_304 = arith.cmpi sgt, %sub3A_295, %gt3A_303 : i32
        %and3A_305 = arith.andi %gt3A_302, %gt3A_304 : i1
        %jit3A_306 = arith.constant 1 : i32
        %jit3A_307 = arith.constant 0 : i32
        %select_n3A_308 = arith.select %and3A_305, %jit3A_306, %jit3A_307 : i32
        %sub3A_309 = arith.subi %sub3A_295, %select_n3A_308 : i32
        %broadcast_in_dim3A_310 = vector.broadcast %select_n3A_308 : i32 to vector<16xi32>
        %mul3A_311 = arith.muli %select_n3A_152, %broadcast_in_dim3A_310 : vector<16xi32>
        %add3A_312 = arith.addi %add3A_298, %mul3A_311 : vector<16xi32>
        %slice3A_313 = vector.extract_strided_slice %select_n3A_200 {offsets = [8], sizes = [1], strides = [1]} : vector<16xi32> to vector<1xi32>
        %squeeze3A_314 = vector.extract %slice3A_313[0] : i32 from vector<1xi32>
        %gt3A_315 = arith.constant 0 : i32
        %gt3A_316 = arith.cmpi sgt, %squeeze3A_314, %gt3A_315 : i32
        %gt3A_317 = arith.constant 0 : i32
        %gt3A_318 = arith.cmpi sgt, %sub3A_309, %gt3A_317 : i32
        %and3A_319 = arith.andi %gt3A_316, %gt3A_318 : i1
        %jit3A_320 = arith.constant 1 : i32
        %jit3A_321 = arith.constant 0 : i32
        %select_n3A_322 = arith.select %and3A_319, %jit3A_320, %jit3A_321 : i32
        %sub3A_323 = arith.subi %sub3A_309, %select_n3A_322 : i32
        %broadcast_in_dim3A_324 = vector.broadcast %select_n3A_322 : i32 to vector<16xi32>
        %mul3A_325 = arith.muli %select_n3A_156, %broadcast_in_dim3A_324 : vector<16xi32>
        %add3A_326 = arith.addi %add3A_312, %mul3A_325 : vector<16xi32>
        %slice3A_327 = vector.extract_strided_slice %select_n3A_200 {offsets = [9], sizes = [1], strides = [1]} : vector<16xi32> to vector<1xi32>
        %squeeze3A_328 = vector.extract %slice3A_327[0] : i32 from vector<1xi32>
        %gt3A_329 = arith.constant 0 : i32
        %gt3A_330 = arith.cmpi sgt, %squeeze3A_328, %gt3A_329 : i32
        %gt3A_331 = arith.constant 0 : i32
        %gt3A_332 = arith.cmpi sgt, %sub3A_323, %gt3A_331 : i32
        %and3A_333 = arith.andi %gt3A_330, %gt3A_332 : i1
        %jit3A_334 = arith.constant 1 : i32
        %jit3A_335 = arith.constant 0 : i32
        %select_n3A_336 = arith.select %and3A_333, %jit3A_334, %jit3A_335 : i32
        %sub3A_337 = arith.subi %sub3A_323, %select_n3A_336 : i32
        %broadcast_in_dim3A_338 = vector.broadcast %select_n3A_336 : i32 to vector<16xi32>
        %mul3A_339 = arith.muli %select_n3A_160, %broadcast_in_dim3A_338 : vector<16xi32>
        %add3A_340 = arith.addi %add3A_326, %mul3A_339 : vector<16xi32>
        %slice3A_341 = vector.extract_strided_slice %select_n3A_200 {offsets = [10], sizes = [1], strides = [1]} : vector<16xi32> to vector<1xi32>
        %squeeze3A_342 = vector.extract %slice3A_341[0] : i32 from vector<1xi32>
        %gt3A_343 = arith.constant 0 : i32
        %gt3A_344 = arith.cmpi sgt, %squeeze3A_342, %gt3A_343 : i32
        %gt3A_345 = arith.constant 0 : i32
        %gt3A_346 = arith.cmpi sgt, %sub3A_337, %gt3A_345 : i32
        %and3A_347 = arith.andi %gt3A_344, %gt3A_346 : i1
        %jit3A_348 = arith.constant 1 : i32
        %jit3A_349 = arith.constant 0 : i32
        %select_n3A_350 = arith.select %and3A_347, %jit3A_348, %jit3A_349 : i32
        %sub3A_351 = arith.subi %sub3A_337, %select_n3A_350 : i32
        %broadcast_in_dim3A_352 = vector.broadcast %select_n3A_350 : i32 to vector<16xi32>
        %mul3A_353 = arith.muli %select_n3A_164, %broadcast_in_dim3A_352 : vector<16xi32>
        %add3A_354 = arith.addi %add3A_340, %mul3A_353 : vector<16xi32>
        %slice3A_355 = vector.extract_strided_slice %select_n3A_200 {offsets = [11], sizes = [1], strides = [1]} : vector<16xi32> to vector<1xi32>
        %squeeze3A_356 = vector.extract %slice3A_355[0] : i32 from vector<1xi32>
        %gt3A_357 = arith.constant 0 : i32
        %gt3A_358 = arith.cmpi sgt, %squeeze3A_356, %gt3A_357 : i32
        %gt3A_359 = arith.constant 0 : i32
        %gt3A_360 = arith.cmpi sgt, %sub3A_351, %gt3A_359 : i32
        %and3A_361 = arith.andi %gt3A_358, %gt3A_360 : i1
        %jit3A_362 = arith.constant 1 : i32
        %jit3A_363 = arith.constant 0 : i32
        %select_n3A_364 = arith.select %and3A_361, %jit3A_362, %jit3A_363 : i32
        %sub3A_365 = arith.subi %sub3A_351, %select_n3A_364 : i32
        %broadcast_in_dim3A_366 = vector.broadcast %select_n3A_364 : i32 to vector<16xi32>
        %mul3A_367 = arith.muli %select_n3A_168, %broadcast_in_dim3A_366 : vector<16xi32>
        %add3A_368 = arith.addi %add3A_354, %mul3A_367 : vector<16xi32>
        %slice3A_369 = vector.extract_strided_slice %select_n3A_200 {offsets = [12], sizes = [1], strides = [1]} : vector<16xi32> to vector<1xi32>
        %squeeze3A_370 = vector.extract %slice3A_369[0] : i32 from vector<1xi32>
        %gt3A_371 = arith.constant 0 : i32
        %gt3A_372 = arith.cmpi sgt, %squeeze3A_370, %gt3A_371 : i32
        %gt3A_373 = arith.constant 0 : i32
        %gt3A_374 = arith.cmpi sgt, %sub3A_365, %gt3A_373 : i32
        %and3A_375 = arith.andi %gt3A_372, %gt3A_374 : i1
        %jit3A_376 = arith.constant 1 : i32
        %jit3A_377 = arith.constant 0 : i32
        %select_n3A_378 = arith.select %and3A_375, %jit3A_376, %jit3A_377 : i32
        %sub3A_379 = arith.subi %sub3A_365, %select_n3A_378 : i32
        %broadcast_in_dim3A_380 = vector.broadcast %select_n3A_378 : i32 to vector<16xi32>
        %mul3A_381 = arith.muli %select_n3A_172, %broadcast_in_dim3A_380 : vector<16xi32>
        %add3A_382 = arith.addi %add3A_368, %mul3A_381 : vector<16xi32>
        %slice3A_383 = vector.extract_strided_slice %select_n3A_200 {offsets = [13], sizes = [1], strides = [1]} : vector<16xi32> to vector<1xi32>
        %squeeze3A_384 = vector.extract %slice3A_383[0] : i32 from vector<1xi32>
        %gt3A_385 = arith.constant 0 : i32
        %gt3A_386 = arith.cmpi sgt, %squeeze3A_384, %gt3A_385 : i32
        %gt3A_387 = arith.constant 0 : i32
        %gt3A_388 = arith.cmpi sgt, %sub3A_379, %gt3A_387 : i32
        %and3A_389 = arith.andi %gt3A_386, %gt3A_388 : i1
        %jit3A_390 = arith.constant 1 : i32
        %jit3A_391 = arith.constant 0 : i32
        %select_n3A_392 = arith.select %and3A_389, %jit3A_390, %jit3A_391 : i32
        %sub3A_393 = arith.subi %sub3A_379, %select_n3A_392 : i32
        %broadcast_in_dim3A_394 = vector.broadcast %select_n3A_392 : i32 to vector<16xi32>
        %mul3A_395 = arith.muli %select_n3A_176, %broadcast_in_dim3A_394 : vector<16xi32>
        %add3A_396 = arith.addi %add3A_382, %mul3A_395 : vector<16xi32>
        %slice3A_397 = vector.extract_strided_slice %select_n3A_200 {offsets = [14], sizes = [1], strides = [1]} : vector<16xi32> to vector<1xi32>
        %squeeze3A_398 = vector.extract %slice3A_397[0] : i32 from vector<1xi32>
        %gt3A_399 = arith.constant 0 : i32
        %gt3A_400 = arith.cmpi sgt, %squeeze3A_398, %gt3A_399 : i32
        %gt3A_401 = arith.constant 0 : i32
        %gt3A_402 = arith.cmpi sgt, %sub3A_393, %gt3A_401 : i32
        %and3A_403 = arith.andi %gt3A_400, %gt3A_402 : i1
        %jit3A_404 = arith.constant 1 : i32
        %jit3A_405 = arith.constant 0 : i32
        %select_n3A_406 = arith.select %and3A_403, %jit3A_404, %jit3A_405 : i32
        %sub3A_407 = arith.subi %sub3A_393, %select_n3A_406 : i32
        %broadcast_in_dim3A_408 = vector.broadcast %select_n3A_406 : i32 to vector<16xi32>
        %mul3A_409 = arith.muli %select_n3A_180, %broadcast_in_dim3A_408 : vector<16xi32>
        %add3A_410 = arith.addi %add3A_396, %mul3A_409 : vector<16xi32>
        %slice3A_411 = vector.extract_strided_slice %select_n3A_200 {offsets = [15], sizes = [1], strides = [1]} : vector<16xi32> to vector<1xi32>
        %squeeze3A_412 = vector.extract %slice3A_411[0] : i32 from vector<1xi32>
        %gt3A_413 = arith.constant 0 : i32
        %gt3A_414 = arith.cmpi sgt, %squeeze3A_412, %gt3A_413 : i32
        %gt3A_415 = arith.constant 0 : i32
        %gt3A_416 = arith.cmpi sgt, %sub3A_407, %gt3A_415 : i32
        %and3A_417 = arith.andi %gt3A_414, %gt3A_416 : i1
        %jit3A_418 = arith.constant 1 : i32
        %jit3A_419 = arith.constant 0 : i32
        %select_n3A_420 = arith.select %and3A_417, %jit3A_418, %jit3A_419 : i32
        %sub3A_421 = arith.subi %sub3A_407, %select_n3A_420 : i32
        %broadcast_in_dim3A_422 = vector.broadcast %select_n3A_420 : i32 to vector<16xi32>
        %mul3A_423 = arith.muli %select_n3A_184, %broadcast_in_dim3A_422 : vector<16xi32>
        %add3A_424 = arith.addi %add3A_410, %mul3A_423 : vector<16xi32>
        %gt3A_425 = arith.cmpi sgt, %add3A_424, %broadcast_in_dim3A_37 : vector<16xi32>
        %or3A = arith.ori %gt3A, %gt3A_425 : vector<16xi1>
        %mul3A_426 = arith.constant 32 : i32
        %mul3A_427 = arith.muli %select_n3A_30, %mul3A_426 : i32
        %ge3A = arith.cmpi sge, %scan3A_193, %mul3A_427 : i32
        %add3A_428 = arith.constant 1 : i32
        %add3A_429 = arith.addi %select_n3A_30, %add3A_428 : i32
        %mul3A_430 = arith.constant 32 : i32
        %mul3A_431 = arith.muli %add3A_429, %mul3A_430 : i32
        %lt3A_432 = arith.cmpi slt, %scan3A_193, %mul3A_431 : i32
        %and3A_433 = arith.andi %ge3A, %lt3A_432 : i1
        %convert_element_type3A_434 = arith.extui %and3A_433 : i1 to i32
        %cond3A_435 = arith.constant 0 : i32
        %cond3A_436 = arith.cmpi ne, %convert_element_type3A_434, %cond3A_435 : i32
        scf.if %cond3A_436 {
          %select_n3A_437 = arith.select %or3A, %broadcast_in_dim3A_39, %broadcast_in_dim3A_41 : vector<16xi1>, vector<16xf32>
          %mul3A_438 = arith.constant 16 : i32
          %mul3A_439 = arith.muli %scan3A_193, %mul3A_438 : i32
          %swap3A = arith.index_cast %mul3A_439 : i32 to index
          %swap3A_440 = tpu.vector_load %arg6[%swap3A] {strides = array<i32>} : memref<2048xf32, #tpu.memory_space<vmem>>, vector<16xf32>,
          %swap3A_441 = vector.shape_cast %swap3A_440 : vector<16xf32> to vector<16xf32>
          %swap3A_442 = vector.shape_cast %select_n3A_437 : vector<16xf32> to vector<16xf32>
          tpu.vector_store %arg6[%swap3A], %swap3A_442 {strides = array<i32>} : memref<2048xf32, #tpu.memory_space<vmem>>, vector<16xf32>,
        } else {
        }
        scf.yield %sub3A_421 : i32
      }
      %scan3A_192 = arith.constant 128 : i32
    } else {
    }
    %mul3A_64 = arith.constant 512 : i32
    %mul3A_65 = arith.muli %select_n3A_30, %mul3A_64 : i32
    %mul3A_66 = arith.constant 512 : i32
    %mul3A_67 = arith.muli %select_n3A_30, %mul3A_66 : i32
    "tpu.region"() ({
      %run_scoped3A = tpu.sem_alloc : memref<!tpu.dma_semaphore, #tpu.memory_space<semaphore_mem>>
      %dma_start3A = tpu.memref_slice %arg6[%mul3A_65] : memref<2048xf32, #tpu.memory_space<vmem>> -> memref<512xf32, #tpu.memory_space<vmem>>
      %dma_start3A_68 = tpu.memref_slice %arg3[%add3A, %mul3A_67] : memref<8x2048xf32, #tpu.memory_space<hbm>> -> memref<1x512xf32, #tpu.memory_space<hbm>>
      %dma_start3A_69 = tpu.memref_squeeze %dma_start3A_68 : memref<1x512xf32, #tpu.memory_space<hbm>> -> memref<512xf32, #tpu.memory_space<hbm>>
      %dma_start3A_70 = tpu.memref_slice %arg3[%add3A, %mul3A_67] : memref<8x2048xf32, #tpu.memory_space<hbm>> -> memref<1x512xf32, #tpu.memory_space<hbm>>
      %dma_start3A_71 = tpu.memref_squeeze %dma_start3A_70 : memref<1x512xf32, #tpu.memory_space<hbm>> -> memref<512xf32, #tpu.memory_space<hbm>>
      %dma_start3A_72 = tpu.memref_slice %arg6[%mul3A_65] : memref<2048xf32, #tpu.memory_space<vmem>> -> memref<512xf32, #tpu.memory_space<vmem>>
      tpu.enqueue_dma source(%dma_start3A_72 : memref<512xf32, #tpu.memory_space<vmem>>) target(%dma_start3A_71 : memref<512xf32, #tpu.memory_space<hbm>>) target_semaphore(%run_scoped3A : memref<!tpu.dma_semaphore, #tpu.memory_space<semaphore_mem>>)
      %dma_wait3A = tpu.memref_slice %arg6[%mul3A_65] : memref<2048xf32, #tpu.memory_space<vmem>> -> memref<512xf32, #tpu.memory_space<vmem>>
      %dma_wait3A_73 = tpu.memref_slice %arg3[%add3A, %mul3A_67] : memref<8x2048xf32, #tpu.memory_space<hbm>> -> memref<1x512xf32, #tpu.memory_space<hbm>>
      %dma_wait3A_74 = tpu.memref_squeeze %dma_wait3A_73 : memref<1x512xf32, #tpu.memory_space<hbm>> -> memref<512xf32, #tpu.memory_space<hbm>>
      %dma_wait3A_75 = tpu.memref_slice %arg3[%add3A, %mul3A_67] : memref<8x2048xf32, #tpu.memory_space<hbm>> -> memref<1x512xf32, #tpu.memory_space<hbm>>
      %dma_wait3A_76 = tpu.memref_squeeze %dma_wait3A_75 : memref<1x512xf32, #tpu.memory_space<hbm>> -> memref<512xf32, #tpu.memory_space<hbm>>
      %dma_wait3A_77 = tpu.memref_slice %arg6[%mul3A_65] : memref<2048xf32, #tpu.memory_space<vmem>> -> memref<512xf32, #tpu.memory_space<vmem>>
      tpu.wait_dma2 semaphore(%run_scoped3A : memref<!tpu.dma_semaphore, #tpu.memory_space<semaphore_mem>>) src(%dma_wait3A_77 : memref<512xf32, #tpu.memory_space<vmem>>) dst(%dma_wait3A_76 : memref<512xf32, #tpu.memory_space<hbm>>)
      tpu.yield
    }) : () -> ()
    return
  }
}

module attributes {stable_mosaic.version = 14 : i64} {
  func.func @_tc_body(%arg0: i32, %arg1: memref<512x1024xf32, #tpu.memory_space<vmem>>, %arg2: memref<1024x1024xf32, #tpu.memory_space<vmem>>, %arg3: memref<1x1024xf32, #tpu.memory_space<vmem>>, %arg4: memref<512x256xf32, #tpu.memory_space<vmem>>, %arg5: memref<1x256xf32, #tpu.memory_space<vmem>>, %arg6: memref<512x1xf32, #tpu.memory_space<vmem>>, %arg7: memref<1x1xf32, #tpu.memory_space<vmem>>, %arg8: memref<512x256xf32, #tpu.memory_space<vmem>>, %arg9: memref<512x1xf32, #tpu.memory_space<vmem>>) attributes {dimension_semantics = [#tpu.dimension_semantics<arbitrary>], iteration_bounds = array<i64: 32>, scalar_prefetch = 0 : i64, scratch_operands = 0 : i64, tpu.core_type = #tpu.core_type<tc>, window_params = [{transform_indices = @transform_0, window_bounds = array<i64: 512, 1024>}, {pipeline_mode = #tpu.pipeline_mode<synchronous>, transform_indices = @transform_1, window_bounds = array<i64: 1024, 1024>}, {pipeline_mode = #tpu.pipeline_mode<synchronous>, transform_indices = @transform_2, window_bounds = array<i64: 1, 1024>}, {pipeline_mode = #tpu.pipeline_mode<synchronous>, transform_indices = @transform_3, window_bounds = array<i64: 512, 256>}, {pipeline_mode = #tpu.pipeline_mode<synchronous>, transform_indices = @transform_4, window_bounds = array<i64: 1, 256>}, {pipeline_mode = #tpu.pipeline_mode<synchronous>, transform_indices = @transform_5, window_bounds = array<i64: 512, 1>}, {pipeline_mode = #tpu.pipeline_mode<synchronous>, transform_indices = @transform_6, window_bounds = array<i64: 1, 1>}, {transform_indices = @transform_7, window_bounds = array<i64: 512, 256>}, {transform_indices = @transform_8, window_bounds = array<i64: 512, 1>}]} {
    %get3A = arith.constant 0 : index
    %get3A_0 = arith.constant 0 : index
    %get3A_1 = vector.load %arg1[%get3A, %get3A_0] : memref<512x1024xf32, #tpu.memory_space<vmem>>, vector<512x1024xf32>
    %get3A_2 = arith.constant 0 : index
    %get3A_3 = arith.constant 0 : index
    %get3A_4 = vector.load %arg2[%get3A_2, %get3A_3] : memref<1024x1024xf32, #tpu.memory_space<vmem>>, vector<1024x1024xf32>
    %dot_general3A = arith.constant dense<0.000000e+00> : vector<512x1024xf32>
    %dot_general3A_5 = tpu.matmul %get3A_1, %get3A_4, %dot_general3A {dimension_numbers = #tpu.dot_dimension_numbers<[1], [0], [0], [1], [0, 0, 1, 1], [], []>, transpose_lhs_hint = false} : vector<512x1024xf32>, vector<1024x1024xf32>, vector<512x1024xf32> -> vector<512x1024xf32>
    %get3A_6 = arith.constant 0 : index
    %get3A_7 = arith.constant 0 : index
    %get3A_8 = vector.load %arg3[%get3A_6, %get3A_7] : memref<1x1024xf32, #tpu.memory_space<vmem>>, vector<1x1024xf32>
    %add3A = vector.broadcast %get3A_8 : vector<1x1024xf32> to vector<512x1024xf32>
    %add3A_9 = arith.addf %dot_general3A_5, %add3A : vector<512x1024xf32>
    %slice3A = vector.extract_strided_slice %add3A_9 {offsets = [0, 0], sizes = [512, 512], strides = [1, 1]} : vector<512x1024xf32> to vector<512x512xf32>
    %max3A = arith.constant 0.000000e+00 : f32
    %max3A_10 = vector.broadcast %max3A : f32 to vector<512x512xf32>
    %max3A_11 = arith.maximumf %slice3A, %max3A_10 : vector<512x512xf32>
    %slice3A_12 = vector.extract_strided_slice %add3A_9 {offsets = [0, 512], sizes = [512, 512], strides = [1, 1]} : vector<512x1024xf32> to vector<512x512xf32>
    %tanh3A = math.tanh %slice3A_12 : vector<512x512xf32>
    %get3A_13 = arith.constant 0 : index
    %get3A_14 = arith.constant 0 : index
    %get3A_15 = vector.load %arg4[%get3A_13, %get3A_14] : memref<512x256xf32, #tpu.memory_space<vmem>>, vector<512x256xf32>
    %dot_general3A_16 = arith.constant dense<0.000000e+00> : vector<512x256xf32>
    %dot_general3A_17 = tpu.matmul %max3A_11, %get3A_15, %dot_general3A_16 {dimension_numbers = #tpu.dot_dimension_numbers<[1], [0], [0], [1], [0, 0, 1, 1], [], []>, transpose_lhs_hint = false} : vector<512x512xf32>, vector<512x256xf32>, vector<512x256xf32> -> vector<512x256xf32>
    %get3A_18 = arith.constant 0 : index
    %get3A_19 = arith.constant 0 : index
    %get3A_20 = vector.load %arg5[%get3A_18, %get3A_19] : memref<1x256xf32, #tpu.memory_space<vmem>>, vector<1x256xf32>
    %add3A_21 = vector.broadcast %get3A_20 : vector<1x256xf32> to vector<512x256xf32>
    %add3A_22 = arith.addf %dot_general3A_17, %add3A_21 : vector<512x256xf32>
    %swap3A = arith.constant 0 : index
    %swap3A_23 = arith.constant 0 : index
    %swap3A_24 = vector.load %arg8[%swap3A, %swap3A_23] : memref<512x256xf32, #tpu.memory_space<vmem>>, vector<512x256xf32>
    tpu.vector_store %arg8[%swap3A, %swap3A_23], %add3A_22 {strides = array<i32>} : memref<512x256xf32, #tpu.memory_space<vmem>>, vector<512x256xf32>,
    %get3A_25 = arith.constant 0 : index
    %get3A_26 = arith.constant 0 : index
    %get3A_27 = vector.load %arg6[%get3A_25, %get3A_26] : memref<512x1xf32, #tpu.memory_space<vmem>>, vector<512x1xf32>
    %dot_general3A_28 = arith.constant dense<0.000000e+00> : vector<512x1xf32>
    %dot_general3A_29 = tpu.matmul %tanh3A, %get3A_27, %dot_general3A_28 {dimension_numbers = #tpu.dot_dimension_numbers<[1], [0], [0], [1], [0, 0, 1, 1], [], []>, transpose_lhs_hint = false} : vector<512x512xf32>, vector<512x1xf32>, vector<512x1xf32> -> vector<512x1xf32>
    %get3A_30 = arith.constant 0 : index
    %get3A_31 = arith.constant 0 : index
    %get3A_32 = vector.load %arg7[%get3A_30, %get3A_31] : memref<1x1xf32, #tpu.memory_space<vmem>>, vector<1x1xf32>
    %get3A_33 = vector.extract %get3A_32[0, 0] : f32 from vector<1x1xf32>
    %add3A_34 = vector.broadcast %get3A_33 : f32 to vector<512x1xf32>
    %add3A_35 = arith.addf %dot_general3A_29, %add3A_34 : vector<512x1xf32>
    %swap3A_36 = arith.constant 0 : index
    %swap3A_37 = arith.constant 0 : index
    %swap3A_38 = vector.load %arg9[%swap3A_36, %swap3A_37] : memref<512x1xf32, #tpu.memory_space<vmem>>, vector<512x1xf32>
    tpu.vector_store %arg9[%swap3A_36, %swap3A_37], %add3A_35 {strides = array<i32>} : memref<512x1xf32, #tpu.memory_space<vmem>>, vector<512x1xf32>,
    return
  }
  func.func @transform_0(%arg0: i32) -> (i32, i32) {
    %c0_i32 = arith.constant 0 : i32
    %c0_i32_0 = arith.constant 0 : i32
    return %arg0, %c0_i32 : i32, i32
  }
  func.func @transform_1(%arg0: i32) -> (i32, i32) {
    %c0_i32 = arith.constant 0 : i32
    %c0_i32_0 = arith.constant 0 : i32
    %c0_i32_1 = arith.constant 0 : i32
    return %c0_i32, %c0_i32_0 : i32, i32
  }
  func.func @transform_2(%arg0: i32) -> (i32, i32) {
    %c0_i32 = arith.constant 0 : i32
    %c0_i32_0 = arith.constant 0 : i32
    %c0_i32_1 = arith.constant 0 : i32
    return %c0_i32, %c0_i32_0 : i32, i32
  }
  func.func @transform_3(%arg0: i32) -> (i32, i32) {
    %c0_i32 = arith.constant 0 : i32
    %c0_i32_0 = arith.constant 0 : i32
    %c0_i32_1 = arith.constant 0 : i32
    return %c0_i32, %c0_i32_0 : i32, i32
  }
  func.func @transform_4(%arg0: i32) -> (i32, i32) {
    %c0_i32 = arith.constant 0 : i32
    %c0_i32_0 = arith.constant 0 : i32
    %c0_i32_1 = arith.constant 0 : i32
    return %c0_i32, %c0_i32_0 : i32, i32
  }
  func.func @transform_5(%arg0: i32) -> (i32, i32) {
    %c0_i32 = arith.constant 0 : i32
    %c0_i32_0 = arith.constant 0 : i32
    %c0_i32_1 = arith.constant 0 : i32
    return %c0_i32, %c0_i32_0 : i32, i32
  }
  func.func @transform_6(%arg0: i32) -> (i32, i32) {
    %c0_i32 = arith.constant 0 : i32
    %c0_i32_0 = arith.constant 0 : i32
    %c0_i32_1 = arith.constant 0 : i32
    return %c0_i32, %c0_i32_0 : i32, i32
  }
  func.func @transform_7(%arg0: i32) -> (i32, i32) {
    %c0_i32 = arith.constant 0 : i32
    %c0_i32_0 = arith.constant 0 : i32
    return %arg0, %c0_i32 : i32, i32
  }
  func.func @transform_8(%arg0: i32) -> (i32, i32) {
    %c0_i32 = arith.constant 0 : i32
    %c0_i32_0 = arith.constant 0 : i32
    return %arg0, %c0_i32 : i32, i32
  }
}

module attributes {stable_mosaic.version = 14 : i64} {
  func.func @_clip_body(%arg0: i32, %arg1: memref<1x1x2048xf32, #tpu.memory_space<vmem>>, %arg2: memref<2048x256xf32, #tpu.memory_space<vmem>>, %arg3: memref<1x1x256xf32, #tpu.memory_space<vmem>>) attributes {dimension_semantics = [#tpu.dimension_semantics<arbitrary>], iteration_bounds = array<i64: 8>, scalar_prefetch = 0 : i64, scratch_operands = 0 : i64, tpu.core_type = #tpu.core_type<tc>, window_params = [{transform_indices = @transform_0, window_bounds = array<i64: 1, 1, 2048>}, {transform_indices = @transform_1, window_bounds = array<i64: 2048, 256>}, {transform_indices = @transform_2, window_bounds = array<i64: 1, 1, 256>}]} {
    %get3A = arith.constant 0 : index
    %get3A_0 = arith.constant 0 : index
    %get3A_1 = arith.constant 0 : index
    %get3A_2 = vector.load %arg1[%get3A, %get3A_0, %get3A_1] : memref<1x1x2048xf32, #tpu.memory_space<vmem>>, vector<1x1x2048xf32>
    %get3A_3 = vector.shape_cast %get3A_2 : vector<1x1x2048xf32> to vector<1x2048xf32>
    %get3A_4 = arith.constant 0 : index
    %get3A_5 = arith.constant 0 : index
    %get3A_6 = vector.load %arg2[%get3A_4, %get3A_5] : memref<2048x256xf32, #tpu.memory_space<vmem>>, vector<2048x256xf32>
    %dot_general3A = arith.constant dense<0.000000e+00> : vector<1x256xf32>
    %dot_general3A_7 = tpu.matmul %get3A_3, %get3A_6, %dot_general3A {dimension_numbers = #tpu.dot_dimension_numbers<[1], [0], [0], [1], [0, 0, 1, 1], [], []>, transpose_lhs_hint = false} : vector<1x2048xf32>, vector<2048x256xf32>, vector<1x256xf32> -> vector<1x256xf32>
    %reshape3A = vector.shape_cast %dot_general3A_7 : vector<1x256xf32> to vector<1x1x256xf32>
    %swap3A = arith.constant 0 : index
    %swap3A_8 = arith.constant 0 : index
    %swap3A_9 = arith.constant 0 : index
    %swap3A_10 = vector.load %arg3[%swap3A, %swap3A_8, %swap3A_9] : memref<1x1x256xf32, #tpu.memory_space<vmem>>, vector<1x1x256xf32>
    tpu.vector_store %arg3[%swap3A, %swap3A_8, %swap3A_9], %reshape3A {strides = array<i32>} : memref<1x1x256xf32, #tpu.memory_space<vmem>>, vector<1x1x256xf32>,
    return
  }
  func.func @transform_0(%arg0: i32) -> (i32, i32, i32) {
    %c0_i32 = arith.constant 0 : i32
    %c0_i32_0 = arith.constant 0 : i32
    %c0_i32_1 = arith.constant 0 : i32
    return %arg0, %c0_i32, %c0_i32_0 : i32, i32, i32
  }
  func.func @transform_1(%arg0: i32) -> (i32, i32) {
    %c0_i32 = arith.constant 0 : i32
    %c0_i32_0 = arith.constant 0 : i32
    return %arg0, %c0_i32 : i32, i32
  }
  func.func @transform_2(%arg0: i32) -> (i32, i32, i32) {
    %c0_i32 = arith.constant 0 : i32
    %c0_i32_0 = arith.constant 0 : i32
    %c0_i32_1 = arith.constant 0 : i32
    return %arg0, %c0_i32, %c0_i32_0 : i32, i32, i32
  }
}

</mosaic_0001>

<sc_bundles>
// kernel: kernel.5.cloned.1.call-start
scs
__scs_entry_jumppad:
0x0: {  	(pc) =	sbr.rel $0x88, $3  }
0x1: {  	(tag) =	ssettag $0x0;
	lr =	simm.s32 $0x1  }
0x2: {  	[smem:$0x3F98] =	sst lr;
	_ =	strace $0xD0000000  }
0x3: {  	_ = 	snop  }
0x4: {  	_ = 	snop  }
0x5: {  	_ = 	snop  }
0x6: {  	_ = 	snop  }
0x7: {  	_ = 	snop  }
__scs_overlays_trampoline_lowered:
0x8: {  	[smem:$0x3FA7] =	sst s0  }
0x9: {  	[smem:$0x3FA8] =	sst s1  }
0xa: {  	[smem:$0x3FA9] =	sst s2  }
0xb: {  	[smem:$0x3FAA] =	sst s3  }
0xc: {  	[smem:$0x3FAB] =	sst s4  }
0xd: {  	[smem:$0x3FAC] =	sst s5  }
0xe: {  	[smem:$0x3FAD] =	sst s6  }
0xf: {  	[smem:$0x3FAE] =	sst s7  }
0x10: {  	[smem:$0x3FAF] =	sst s8  }
0x11: {  	[smem:$0x3FB0] =	sst s9;
	s0 =	simm.s32 @!p0 $0x0  }
0x12: {  	s1 =	sld [smem:$0x3F96];
	s0 =	simm.s32 @p0 $0x1  }
0x13: {  	[smem:$0x3FB1] =	sst s0;
	s0 =	simm.s32 @!p1 $0x0  }
0x14: {  	s2 =	sld [smem:$0x3F95];
	s0 =	simm.s32 @p1 $0x1  }
0x15: {  	[smem:$0x3FB2] =	sst s0;
	s0 =	simm.s32 @!p2 $0x0  }
0x16: {  	s3 =	sld [smem:$0x3FDB];
	s0 =	simm.s32 @p2 $0x1  }
0x17: {  	s4 =	simm.s32 $0x1BF5;
	[smem:$0x3FB4] =	sst s0  }
0x18: {  	s0 =	sld [smem:$0x3F97];
	_ =	swait.ge [sflag:s4], $0x0  }
0x19: {  	s7 =	sld [smem:$0x3F98]  }
0x1a: {  	s8 =	sadd.s32 $0xFFFFE003, lr  }
0x1b: {  	s9 =	sadd.s32 $0xFFFFFEF7, lr;
	s5 =	simm.s32 $0xFFFFFFFF;
	p2 =	slt.u32 s8, $0xFFFFF086  }
0x1c: {  	p1 =	slt.u32 s9, $0xF7A;
	s5 =	simm.s32 @!p2 $0x0  }
0x1d: {  	s5 =	simm.s32 @p1 $0x1;
	p0 =	seq.s32 s7, s2  }
0x1e: {  	s7 =	smul.u32 @!p0 $0xF7A, s2;
	p2 =	seq.s32 @!p0 s5, $0x0  }
0x1f: {  	s9 =	smul.u32 $0xF7A, s1;
	s8 =	simm.s32 @!p0 $0x1BF5;
	p2 =	por !p2, p0  }
0x20: {  	[sflag:s8] =	ssyncset.s32 @!p0 $0xFFFFF086;
	s6 =	sadd.s32 @!p0 s3, s7;
	s7 =	simm.s32 @!p0 $0x108  }
0x21: {  	s3 =	sadd.s32 s3, s9;
	s6 =	sadd.s32 @!p0 $0x88, s6;
	s7 =	simm.s32 @p2 $0x1082  }
0x22: {  	[simem:s7], [sflag:s8] =	dma.local @!p0 [hbm:s6], $0xF7A  }
0x23: {  	s9 =	sor.u32 $0xD0000000, s2;
	s6 =	simm.s32 $0x108;
	_ =	swait.ge @!p0 [sflag:s8], $0x0  }
0x24: {  	s3 =	sadd.s32 $0x88, s3;
	s6 =	simm.s32 @!p1 $0x1082;
	[sflag:s4] =	ssyncset.s32 $0xFFFFF086  }
0x25: {  	[simem:s6], [sflag:s4] =	dma.local [hbm:s3], $0xF7A  }
0x26: {  	[smem:$0x3F98] =	sst s1;
	(tag) =	ssettag s2;
	_ =	strace s9  }
0x27: {  	s1 =	sld [smem:$0x3FA8]  }
0x28: {  	s2 =	sld [smem:$0x3FA9]  }
0x29: {  	s4 =	sld [smem:$0x3FAB]  }
0x2a: {  	p0 =	seq.s32 s5, $0x0;
	s5 =	sld [smem:$0x3FAC]  }
0x2b: {  	s6 =	sld [smem:$0x3FAD]  }
0x2c: {  	s7 =	sld [smem:$0x3FAE]  }
0x2d: {  	s3 =	simm.s32 $0x108;
	s8 =	sld [smem:$0x3FAF]  }
0x2e: {  	s3 =	simm.s32 @!p0 $0x1082;
	s9 =	sld [smem:$0x3FB0]  }
0x2f: {  	lr =	sadd.s32 s0, s3;
	s0 =	sld [smem:$0x3FA7]  }
0x30: {  	s3 =	sld [smem:$0x3FAA]  }
0x31: {  	[smem:$0x3FB3] =	sst s10  }
0x32: {  	s10 =	sld [smem:$0x3FB1];
	_ =	sdelay $0x3  }
0x33: {  	p0 =	seq.s32 s10, $0x1;
	s10 =	sld [smem:$0x3FB3];
	_ =	sdelay $0x3  }
0x34: {  	[smem:$0x3FB3] =	sst s10  }
0x35: {  	s10 =	sld [smem:$0x3FB2];
	_ =	sdelay $0x3  }
0x36: {  	p1 =	seq.s32 s10, $0x1;
	s10 =	sld [smem:$0x3FB3];
	_ =	sdelay $0x3  }
0x37: {  	[smem:$0x3FB3] =	sst s10  }
0x38: {  	s10 =	sld [smem:$0x3FB4]  }
0x39: {  	_ = 	snop;
	(pc) =	sbr.ind lr, $3  }
0x3a: {  	_ = 	snop  }
0x3b: {  	_ = 	snop  }
0x3c: {  	p2 =	seq.s32 s10, $0x1;
	s10 =	sld [smem:$0x3FB3]  }
0x3d: {  	_ =	shalt  }
0x3e: {  	_ =	shalt  }
0x3f: {  	_ =	shalt  }
0x40: {  	_ =	shalt  }
0x41: {  	_ =	shalt  }
0x42: {  	_ =	shalt  }
0x43: {  	_ =	shalt  }
0x44: {  	_ =	shalt  }
0x45: {  	_ =	shalt  }
0x46: {  	_ =	shalt  }
0x47: {  	_ =	shalt  }
0x48: {  	_ =	shalt  }
0x49: {  	_ =	shalt  }
0x4a: {  	_ =	shalt  }
0x4b: {  	_ =	shalt  }
0x4c: {  	_ =	shalt  }
0x4d: {  	_ =	shalt  }
0x4e: {  	_ =	shalt  }
0x4f: {  	_ =	shalt  }
0x50: {  	_ =	shalt  }
0x51: {  	_ =	shalt  }
0x52: {  	_ =	shalt  }
0x53: {  	_ =	shalt  }
0x54: {  	_ =	shalt  }
0x55: {  	_ =	shalt  }
0x56: {  	_ =	shalt  }
0x57: {  	_ =	shalt  }
0x58: {  	_ =	shalt  }
0x59: {  	_ =	shalt  }
0x5a: {  	_ =	shalt  }
0x5b: {  	_ =	shalt  }
0x5c: {  	_ =	shalt  }
0x5d: {  	_ =	shalt  }
0x5e: {  	_ =	shalt  }
0x5f: {  	_ =	shalt  }
0x60: {  	_ =	shalt  }
0x61: {  	_ =	shalt  }
0x62: {  	_ =	shalt  }
0x63: {  	_ =	shalt  }
0x64: {  	_ =	shalt  }
0x65: {  	_ =	shalt  }
0x66: {  	_ =	shalt  }
0x67: {  	_ =	shalt  }
0x68: {  	_ =	shalt  }
0x69: {  	_ =	shalt  }
0x6a: {  	_ =	shalt  }
0x6b: {  	_ =	shalt  }
0x6c: {  	_ =	shalt  }
0x6d: {  	_ =	shalt  }
0x6e: {  	_ =	shalt  }
0x6f: {  	_ =	shalt  }
0x70: {  	_ =	shalt  }
0x71: {  	_ =	shalt  }
0x72: {  	_ =	shalt  }
0x73: {  	_ =	shalt  }
0x74: {  	_ =	shalt  }
0x75: {  	_ =	shalt  }
0x76: {  	_ =	shalt  }
0x77: {  	_ =	shalt  }
0x78: {  	_ =	shalt  }
0x79: {  	_ =	shalt  }
0x7a: {  	_ =	shalt  }
0x7b: {  	_ =	shalt  }
0x7c: {  	_ =	shalt  }
0x7d: {  	_ =	shalt  }
0x7e: {  	_ =	shalt  }
0x7f: {  	_ =	shalt  }
0x80: {  	_ =	shalt  }
0x81: {  	_ =	shalt  }
0x82: {  	_ =	shalt  }
0x83: {  	_ =	shalt  }
0x84: {  	_ =	shalt  }
0x85: {  	_ =	shalt  }
0x86: {  	_ =	shalt  }
0x87: {  	_ =	shalt  }
.Lfunc_end0:
.L_simem_size_0:
called_computation_lowered:
.L_overlay_start_0:
0x88: {  	s2 =	sld [smem:$0x3FD9]  }
0x89: {  	s3 =	sld [smem:$0x3FFE];
	_ =	sdelay $0x1  }
0x8a: {  	s1 =	srdreg.scid  }
0x8b: {  	s0 =	sand.u32 $0x1, s1  }
0x8c: {  	s14 =	sshll.u32 s0, $0xA;
	s2 =	sadd.s32 s3, s2  }
0x8d: {  	s2 =	sadd.s32 s2, s14  }
0x8e: {  	[smem:$0x3FBF] =	sst s2  }
0x8f: {  	_ = 	snop  }
0x90: {  	s2 =	sld [smem:$0x3FD0];
	_ =	sdelay $0x2  }
0x91: {  	s15 =	simm.s32 $0xA;
	s4 =	simm.s32 $0x10  }
0x92: {  	[smem:s4], [sflag:s15] =	dma.local [hbm:s2], $0x1  }
0x93: {  	_ =	swait.eq [sflag:s15], $0x1  }
0x94: {  	[sflag:s15] =	ssyncset.done $0x0  }
0x95: {  	[sflag:s15] =	ssyncadd.s32 $0xFFFFFFFF  }
0x96: {  	s16 =	sld [smem:$0x12];
	(tm) =	ssettm $0x1  }
0x97: {  	s17 =	sld [smem:$0x3FFB];
	_ =	sdelay $0x3  }
0x98: {  	_ =	strace s17  }
0x99: {  	s3 =	sld [smem:$0x3FFC];
	_ =	sdelay $0x3  }
0x9a: {  	_ =	strace s3  }
0x9b: {  	s3 =	sld [smem:$0x3FFD];
	_ =	sdelay $0x3  }
0x9c: {  	_ =	strace s3  }
0x9d: {  	_ =	strace $0x8FFFFFFF  }
0x9e: {  	s18 =	sld [smem:$0x3FDB];
	_ =	sdelay $0x1  }
0x9f: {  	s19 =	simm.s32 $_scs_section_size  }
0xa0: {  	s5 =	simm.s32 $_size__tile_overlayer_lowered;
	s6 =	simm.s32 $_tile_overlayer_lowered  }
0xa1: {  	s22 =	simm.s32 $0x1BFF;
	s21 =	sshll.u32 s6, $0x1;
	s3 =	sadd.s32 s19, s18  }
0xa2: {  	s7 =	simm.s32 $0x0;
	s20 =	sshll.u32 s5, $0x1;
	s5 =	sadd.s32 s21, s3  }
0xa3: {  	[timem:s7], [sflag:s22] =	dma.local [hbm:s5], s20  }
0xa4: {  	_ =	swait.ge [sflag:s22], s20  }
0xa5: {  	s4 =	ssub.s32 $0x0, s20;
	[sflag:s22] =	ssyncset.done $0x0  }
0xa6: {  	[sflag:s22] =	ssyncadd.s32 s4;
	_ =	sdelay $0x1  }
0xa7: {  	s23 =	simm.s32 $0x1B8B  }
0xa8: {  	_ =	swait.ge [sflag:s23], $0x1  }
0xa9: {  	[sflag:s23] =	ssyncset.done $0x0  }
0xaa: {  	s25 =	simm.s32 $0x1B8E;
	s24 =	sld [smem:$0x3FFE];
	[sflag:s23] =	ssyncadd.s32 $0xFFFFFFFF  }
0xab: {  	s26 =	simm.s32 $execute0_lowered;
	[smem:$0x3FD2] =	sst s25  }
0xac: {  	s5 =	sshll.u32 s26, $0x1;
	_ =	strace $0x80000046;
	[dreg:$0x1] =	wrdreg $0xFFFFFFFF  }
0xad: {  	s28 =	simm.s32 $_size_execute0_lowered;
	s3 =	sadd.s32 s3, s5;
	[dreg:$0x0] =	wrdreg $0x0  }
0xae: {  	s5 =	sshll.u32 s28, $0x1;
	[dreg:$0x2] =	wrdreg s3  }
0xaf: {  	[dreg:$0x3] =	wrdreg s5  }
0xb0: {  	[dreg:$0x4] =	wrdreg $0xC0  }
0xb1: {  	_ =	task [dreg:s7], $0x5FFFF  }
0xb2: {  	[dreg:$0x1] =	wrdreg $0xFFFFFFFF  }
0xb3: {  	[dreg:$0x0] =	wrdreg $0x60  }
0xb4: {  	[dreg:$0x2] =	wrdreg s24  }
0xb5: {  	[dreg:$0x3] =	wrdreg s16  }
0xb6: {  	[dreg:$0x4] =	wrdreg $0x9  }
0xb7: {  	_ =	task.clear_ibuf [dreg:s7], $0x5FFFF;
	_ =	strace $0x90000046  }
0xb8: {  	s29 =	simm.s32 $0x9;
	_ =	strace $0x80000048  }
0xb9: {  	_ =	swait.ge [sflag:s29], $0x1  }
0xba: {  	[sflag:s29] =	ssyncadd.s32 $0xFFFFFFFF  }
0xbb: {  	_ =	strace $0x90000048  }
0xbc: {  	_ =	sfence  }
0xbd: {  	s30 =	sld [smem:$0x0];
	_ =	sdelay $0x2  }
0xbe: {  	s31 =	sshll.u32 s1, $0xD;
	s1 =	sshrl.u32 s1, $0x2  }
0xbf: {  	s3 =	sand.u32 $0x4000, s31;
	s1 =	sadd.s32 s1, s30  }
0xc0: {  	s0 =	sor.u32 s3, s0;
	s1 =	sshll.u32 s1, $0x11  }
0xc1: {  	s0 =	sor.u32 s1, s0  }
0xc2: {  	s0 =	sadd.s32 $0x8F2B, s0  }
0xc3: {  	[sflag:s0] =	ssyncadd.remote.s32 $0x1  }
0xc4: {  	_ =	sfence.sel $0xFFFF  }
0xc5: {  	[dreg:$0x0] =	wrdreg $0xFFFFFFFF;
	(pc) =	sbr.abs _section_cstart, $3  }
0xc6: {  	[dreg:$0x1] =	wrdreg $0xFFFFFFFF  }
0xc7: {  	_ =	task.clear_ibuf [dreg:s7], $0x2FFFF;
	_ =	strace $0x9FFFFFFF  }
0xc8: {  	(tm) =	ssettm $0x7FFFFFFF  }
0xc9: {  	_ =	shalt  }
tec
execute0_lowered:
.L_overlay_start_1:
0x0: {  	(tag) =	ssettag $0x1  }
0x1: {  	s0 =	rddreg [dreg:$0x0];
	v0 =	vimm.s32 $0x0;
	vm0 =	vcmask $0x300  }
0x2: {  	s1 =	rddreg [dreg:$0x1];
	vm1 =	vcmask $0x704;
	vm15 =	vcmask $0xB08;
	vm4 =	vcmask $0xF0C  }
0x3: {  	s2 =	srdreg.scid;
	s6 =	stileid.u32;
	vm2 =	vcmask $0x1310;
	s4 =	simm.s32 $0x0;
	vm5 =	vcmask $0x1714;
	vm6 =	vcmask $0x1B18  }
0x4: {  	vm7 =	vcmask $0x1F1C;
	vm8 =	vcmask $0x2320;
	vm9 =	vcmask $0x2724;
	s10 =	simm.s32 $0x400;
	s11 =	simm.s32 $0x1;
	s12 =	simm.s32 $0x80000000  }
0x5: {  	vm10 =	vcmask $0x2B28;
	vm11 =	vcmask $0x2F2C;
	vm12 =	vcmask $0x3330;
	s13 =	simm.s32 $0x0;
	s2 =	sand.u32 $0x1, s2;
	s3 =	sshll.u32 s6, $0x5  }
0x6: {  	vm13 =	vcmask $0x3734;
	vm14 =	vcmask $0x3B38;
	v17 =	vimm.s32 $0xFFFFFFFF;
	[smem:$0x7FF] =	sst s4;
	s6 =	sand.u32 $0x3, s6;
	s28 =	sshll.u32 s2, $0x9  }
0x7: {  	v16 =	vimm.f32 $4.878048790e-03;
	v18 =	vimm.f32 $0.0e+00;
	v1 =	vsel vm0, $0xFFFFFFFF, v0;
	s3 =	sand.u32 $0x180, s3;
	_ =	strace $0x80000047;
	s9 =	sshll.u32 s6, $0x9  }
0x8: {  	v2 =	vsel vm1, $0xFFFFFFFF, v0;
	v3 =	vsel vm15, $0xFFFFFFFF, v0;
	v4 =	vsel vm4, $0xFFFFFFFF, v0;
	s2 =	ssub.s32 $0x2, s2;
	s7 =	sshll.u32 s6, $0xC;
	s31 =	sor.u32 $0x800, s9  }
.Ltmp0:
0x9: {  	v5 =	vsel vm2, $0xFFFFFFFF, v0;
	v6 =	vsel vm5, $0xFFFFFFFF, v0;
	s5 =	sor.u32 s28, s3;
	s29 =	sshrl.u32 s2, $0x1;
	v19 =	vmov s31;
	(pc) =	sbr.rel .LBB2_1-.Ltmp0, $4  }
0xa: {  	v7 =	vsel vm6, $0xFFFFFFFF, v0;
	v8 =	vsel vm7, $0xFFFFFFFF, v0;
	v9 =	vsel vm8, $0xFFFFFFFF, v0;
	s4 =	sshll.u32 s6, $0x5;
	s3 =	sshrl.u32 s5, $0x3;
	s2 =	ssub.s32 s2, s29  }
0xb: {  	v10 =	vsel vm9, $0xFFFFFFFF, v0;
	v11 =	vsel vm10, $0xFFFFFFFF, v0;
	v12 =	vsel vm11, $0xFFFFFFFF, v0;
	s30 =	sor.u32 s7, s5;
	s5 =	sadd.s32 $0x20, s4;
	s0 =	sadd.s32 s3, s0  }
0xc: {  	v13 =	vsel vm12, $0xFFFFFFFF, v0;
	v14 =	vsel vm13, $0xFFFFFFFF, v0;
	vm15 =	vcmask $0x3B00;
	s7 =	sor.u32 $0x1000, s9;
	s3 =	sadd.s32 $0xC00, s0;
	s0 =	sshrl.u32 s30, $0x3  }
0xd: {  	v15 =	vsel vm14, $0xFFFFFFFF, v0;
	v17 =	vsel vm15, $0x0, v17;
	s9 =	simm.s32 $0x80;
	s8 =	smax.u32 s2, $0x1;
	v20 =	vmov s7;
	s6 =	sadd.s32 s1, s0  }
.LBB2_19:
0xe: {  	s13 =	sadd.s32 $0x1, s13  }
0xf: {  	p0 =	sne.s32 s13, s8  }
.Ltmp1:
0x10: {  	_ = 	snop;
	(pc) =	sbr.rel @!p0 .LBB2_20-.Ltmp1, $4  }
0x11: {  	[hbm4b:s6+s9] =	stream.strided.scatter [tilespmem:s7], [sflag:$0x1], $0x200, s10, s9, $0x38;
	[tilespmem:$0x1800] =	vst v63  }
0x12: {  	_ =	swait.ge [sflag:s11], $0x200  }
0x13: {  	[sflag:s11] =	ssyncset.done $0x0  }
0x14: {  	[sflag:s11] =	ssyncadd.s32 $0xFFFFFE00  }
.LBB2_1:
0x15: {  	s0 =	simm.s32 $0x0  }
0x16: {  	[tilespmem:s0], [sflag:$0x1] =	stream.strided.gather [hbm4b:s3+s9], $0x800, s10, s9, $0x38;
	[tilespmem:$0x1800] =	vst v63  }
0x17: {  	_ =	swait.ge [sflag:s11], $0x800  }
0x18: {  	[sflag:s11] =	ssyncset.done $0x0  }
0x19: {  	s0 =	simm.s32 $0x0;
	[sflag:s11] =	ssyncadd.s32 $0xFFFFF800  }
0x1a: {  	v21 =	vld [tilespmem:s0+$0x0]  }
0x1b: {  	s1 =	simm.s32 $0x40  }
.LBB2_2:
0x1c: {  	p0 =	sne.s32 s1, $0x1FC0  }
.Ltmp2:
0x1d: {  	_ = 	snop;
	(pc) =	sbr.rel @p0 .LBB2_2-.Ltmp2, $4  }
0x1e: {  	_ = 	snop  }
0x1f: {  	s2 =	sshra.s32 s1, $0x2;
	s1 =	sadd.s32 $0x40, s1;
	v22 =	vxor.u32 $0xFFFFFFFF, v21;
	v23 =	vor.u32 $0x80000000, v21;
	vm0 =	vlt.s32 v21, $0x0  }
0x20: {  	v21 =	vld [tilespmem:s2+$0x0];
	v22 =	vsel vm0, v22, v23  }
0x21: {  	[tilespmem:s0+$0x800] =	vst v22;
	s0 =	smov.u32 s2  }
0x22: {  	_ =	sdelay $0x2  }
0x23: {  	v22 =	vxor.u32 $0xFFFFFFFF, v21;
	v23 =	vor.u32 $0x80000000, v21;
	vm0 =	vlt.s32 v21, $0x0  }
0x24: {  	s14 =	simm.s32 $0x0;
	v21 =	vsel vm0, v22, v23  }
0x25: {  	s16 =	simm.s32 $0x800;
	s15 =	simm.s32 $0x1F;
	s17 =	simm.s32 $0x0;
	[tilespmem:s0+$0x800] =	vst v21  }
.LBB2_4:
0x26: {  	p0 =	sne.s32 s16, $0xCD  }
.Ltmp3:
0x27: {  	_ = 	snop;
	(pc) =	sbr.rel @!p0 .LBB2_5-.Ltmp3, $1  }
0x28: {  	_ =	sdelay $0x3  }
0x29: {  	s0 =	simm.s32 $0x820  }
0x2a: {  	v22 =	vld [tilespmem:s0+$0xFFFFFFE0]  }
0x2b: {  	v24 =	vld [tilespmem:s0+$0xFFFFFFF0]  }
0x2c: {  	s1 =	sshrl.u32 s12, s17;
	v25 =	vld [tilespmem:s0+$0x0]  }
0x2d: {  	s18 =	sor.u32 s1, s14;
	v26 =	vld [tilespmem:s0+$0x10]  }
0x2e: {  	v21 =	vmov s18  }
0x2f: {  	s0 =	simm.s32 $0x860;
	vm0 =	vge.u32 v22, v21  }
0x30: {  	v27 =	vimm.s32 $0x0;
	v23 =	vld [tilespmem:s0+$0xFFFFFFE0];
	vm13 =	vge.u32 v24, v21;
	v28 =	vsel vm0, $0x1, v0  }
0x31: {  	v22 =	vld [tilespmem:s0+$0xFFFFFFF0];
	vm14 =	vge.u32 v25, v21;
	v27 =	vadd.s32 v28, v27;
	v28 =	vsel vm13, $0x1, v0  }
0x32: {  	v24 =	vld [tilespmem:s0+$0x0];
	vm15 =	vge.u32 v26, v21;
	v27 =	vadd.s32 v28, v27;
	v28 =	vsel vm14, $0x1, v0  }
0x33: {  	s1 =	simm.s32 $0x4;
	v25 =	vld [tilespmem:s0+$0x10];
	v26 =	vadd.s32 v28, v27;
	v27 =	vsel vm15, $0x1, v0  }
.LBB2_12:
0x34: {  	s1 =	sadd.s32 $0x4, s1  }
0x35: {  	v26 =	vadd.s32 v27, v26;
	p0 =	slt.u32 s1, $0x7C  }
.Ltmp4:
0x36: {  	s0 =	sadd.s32 $0x40, s0;
	vm0 =	vge.u32 v23, v21;
	(pc) =	sbr.rel @p0 .LBB2_12-.Ltmp4, $4  }
0x37: {  	v23 =	vld [tilespmem:s0+$0xFFFFFFE0];
	v27 =	vsel vm0, $0x1, v0;
	vm0 =	vge.u32 v22, v21  }
0x38: {  	v22 =	vld [tilespmem:s0+$0xFFFFFFF0];
	v26 =	vadd.s32 v27, v26;
	v27 =	vsel vm0, $0x1, v0;
	vm0 =	vge.u32 v24, v21  }
0x39: {  	v24 =	vld [tilespmem:s0+$0x0];
	v26 =	vadd.s32 v27, v26;
	v27 =	vsel vm0, $0x1, v0;
	vm0 =	vge.u32 v25, v21  }
0x3a: {  	v25 =	vld [tilespmem:s0+$0x10];
	v26 =	vadd.s32 v27, v26;
	v27 =	vsel vm0, $0x1, v0  }
0x3b: {  	_ = 	snop  }
0x3c: {  	vm0 =	vge.u32 v23, v21  }
0x3d: {  	v23 =	vadd.s32 v27, v26;
	v63 =	vsel vm0, $0x1, v0;
	vm13 =	vge.u32 v22, v21  }
0x3e: {  	v22 =	vadd.s32 v63, v23;
	v23 =	vsel vm13, $0x1, v0;
	vm14 =	vge.u32 v24, v21  }
0x3f: {  	v22 =	vadd.s32 v23, v22;
	v23 =	vsel vm14, $0x1, v0;
	vm15 =	vge.u32 v25, v21  }
0x40: {  	v21 =	vadd.s32 v23, v22;
	v22 =	vsel vm15, $0x1, v0  }
0x41: {  	v21 =	vadd.s32 v22, v21  }
0x42: {  	(v2sf) =	vpush v21, $0x0  }
0x43: {  	(v2sf) =	vpush v21, $0x1  }
0x44: {  	(v2sf) =	vpush v21, $0x2  }
0x45: {  	(v2sf) =	vpush v21, $0x3  }
0x46: {  	(v2sf) =	vpush v21, $0x4  }
0x47: {  	(v2sf) =	vpush v21, $0x5  }
0x48: {  	(v2sf) =	vpush v21, $0x6  }
0x49: {  	(v2sf) =	vpush v21, $0x7  }
0x4a: {  	(v2sf) =	vpush v21, $0x8  }
0x4b: {  	(v2sf) =	vpush v21, $0x9  }
0x4c: {  	(v2sf) =	vpush v21, $0xA  }
0x4d: {  	(v2sf) =	vpush v21, $0xB  }
0x4e: {  	(v2sf) =	vpush v21, $0xC  }
0x4f: {  	(v2sf) =	vpush v21, $0xD  }
0x50: {  	(v2sf) =	vpush v21, $0xE  }
0x51: {  	s0 =	spop (v2sf);
	(v2sf) =	vpush v21, $0xF  }
0x52: {  	s1 =	spop (v2sf)  }
0x53: {  	s0 =	sadd.s32 s1, s0;
	s31 =	spop (v2sf)  }
0x54: {  	s0 =	sadd.s32 s31, s0;
	s2 =	spop (v2sf)  }
0x55: {  	s0 =	sadd.s32 s2, s0;
	s19 =	spop (v2sf)  }
0x56: {  	s0 =	sadd.s32 s19, s0;
	s20 =	spop (v2sf)  }
0x57: {  	s0 =	sadd.s32 s20, s0;
	s21 =	spop (v2sf)  }
0x58: {  	s0 =	sadd.s32 s21, s0;
	s22 =	spop (v2sf)  }
0x59: {  	s0 =	sadd.s32 s22, s0;
	s23 =	spop (v2sf)  }
0x5a: {  	s0 =	sadd.s32 s23, s0;
	s24 =	spop (v2sf)  }
0x5b: {  	s0 =	sadd.s32 s24, s0;
	s25 =	spop (v2sf)  }
0x5c: {  	s0 =	sadd.s32 s25, s0;
	s26 =	spop (v2sf)  }
0x5d: {  	s17 =	sadd.s32 $0x1, s17;
	s0 =	sadd.s32 s26, s0;
	s28 =	spop (v2sf)  }
0x5e: {  	p1 =	seq.s32 s17, $0x20;
	s0 =	sadd.s32 s28, s0;
	s29 =	spop (v2sf)  }
.Ltmp5:
0x5f: {  	s0 =	sadd.s32 s29, s0;
	s30 =	spop (v2sf);
	(pc) =	sbr.rel @!p1 .LBB2_4-.Ltmp5, $4  }
0x60: {  	s0 =	sadd.s32 s30, s0;
	s31 =	spop (v2sf)  }
0x61: {  	s0 =	sadd.s32 s31, s0  }
0x62: {  	p0 =	sgt.s32 s0, $0xCC  }
0x63: {  	s15 =	sadd.s32 $0xFFFFFFFF, s15;
	s14 =	smov.u32 @p0 s18;
	s16 =	smov.u32 @p0 s0  }
0x64: {  	p0 =	sne.s32 s16, $0xCD  }
.Ltmp6:
0x65: {  	_ = 	snop;
	(pc) =	sbr.rel @!p0 .LBB2_8-.Ltmp6, $2  }
0x66: {  	_ =	sdelay $0x2  }
0x67: {  	v21 =	vmov s14  }
0x68: {  	s0 =	simm.s32 $0x820  }
0x69: {  	v22 =	vld [tilespmem:s0+$0xFFFFFFE0]  }
0x6a: {  	v25 =	vld [tilespmem:s0+$0xFFFFFFF0]  }
0x6b: {  	v26 =	vld [tilespmem:s0+$0x0]  }
0x6c: {  	v27 =	vld [tilespmem:s0+$0x10];
	_ =	sdelay $0x1  }
0x6d: {  	s0 =	simm.s32 $0x860;
	vm0 =	vgt.u32 v22, v21  }
0x6e: {  	v24 =	vimm.s32 $0x0;
	v23 =	vld [tilespmem:s0+$0xFFFFFFE0];
	vm13 =	vgt.u32 v25, v21;
	v28 =	vsel vm0, $0x1, v0  }
0x6f: {  	v22 =	vld [tilespmem:s0+$0xFFFFFFF0];
	vm14 =	vgt.u32 v26, v21;
	v25 =	vadd.s32 v28, v24;
	v28 =	vsel vm13, $0x1, v0  }
0x70: {  	vm15 =	vgt.u32 v27, v21;
	v24 =	vld [tilespmem:s0+$0x0];
	v26 =	vadd.s32 v28, v25;
	v28 =	vsel vm14, $0x1, v0  }
0x71: {  	s1 =	simm.s32 $0x4;
	v27 =	vsel vm15, $0x1, v0;
	v25 =	vld [tilespmem:s0+$0x10];
	v26 =	vadd.s32 v28, v26  }
.LBB2_16:
0x72: {  	s1 =	sadd.s32 $0x4, s1  }
0x73: {  	v26 =	vadd.s32 v27, v26;
	p0 =	slt.u32 s1, $0x7C  }
.Ltmp7:
0x74: {  	s0 =	sadd.s32 $0x40, s0;
	vm0 =	vgt.u32 v23, v21;
	(pc) =	sbr.rel @p0 .LBB2_16-.Ltmp7, $4  }
0x75: {  	v23 =	vld [tilespmem:s0+$0xFFFFFFE0];
	v27 =	vsel vm0, $0x1, v0;
	vm0 =	vgt.u32 v22, v21  }
0x76: {  	v22 =	vld [tilespmem:s0+$0xFFFFFFF0];
	v26 =	vadd.s32 v27, v26;
	v27 =	vsel vm0, $0x1, v0;
	vm0 =	vgt.u32 v24, v21  }
0x77: {  	v24 =	vld [tilespmem:s0+$0x0];
	v26 =	vadd.s32 v27, v26;
	v27 =	vsel vm0, $0x1, v0;
	vm0 =	vgt.u32 v25, v21  }
0x78: {  	v25 =	vld [tilespmem:s0+$0x10];
	v26 =	vadd.s32 v27, v26;
	v27 =	vsel vm0, $0x1, v0  }
0x79: {  	_ = 	snop  }
0x7a: {  	vm0 =	vgt.u32 v23, v21  }
0x7b: {  	v23 =	vadd.s32 v27, v26;
	v63 =	vsel vm0, $0x1, v0;
	vm13 =	vgt.u32 v22, v21  }
0x7c: {  	v22 =	vadd.s32 v63, v23;
	v23 =	vsel vm13, $0x1, v0;
	vm14 =	vgt.u32 v24, v21  }
0x7d: {  	v22 =	vadd.s32 v23, v22;
	v23 =	vsel vm14, $0x1, v0;
	vm15 =	vgt.u32 v25, v21  }
0x7e: {  	v22 =	vadd.s32 v23, v22;
	v23 =	vsel vm15, $0x1, v0  }
0x7f: {  	v22 =	vadd.s32 v23, v22  }
0x80: {  	(v2sf) =	vpush v22, $0x0  }
0x81: {  	(v2sf) =	vpush v22, $0x1  }
0x82: {  	(v2sf) =	vpush v22, $0x2  }
0x83: {  	(v2sf) =	vpush v22, $0x3  }
0x84: {  	(v2sf) =	vpush v22, $0x4  }
0x85: {  	(v2sf) =	vpush v22, $0x5  }
0x86: {  	(v2sf) =	vpush v22, $0x6  }
0x87: {  	(v2sf) =	vpush v22, $0x7  }
0x88: {  	(v2sf) =	vpush v22, $0x8  }
0x89: {  	(v2sf) =	vpush v22, $0x9  }
0x8a: {  	(v2sf) =	vpush v22, $0xA  }
0x8b: {  	(v2sf) =	vpush v22, $0xB  }
0x8c: {  	(v2sf) =	vpush v22, $0xC  }
0x8d: {  	(v2sf) =	vpush v22, $0xD  }
0x8e: {  	(v2sf) =	vpush v22, $0xE  }
0x8f: {  	s0 =	spop (v2sf);
	(v2sf) =	vpush v22, $0xF  }
0x90: {  	s1 =	spop (v2sf)  }
0x91: {  	s2 =	spop (v2sf);
	s0 =	sadd.s32 s0, s1  }
0x92: {  	s18 =	spop (v2sf);
	s0 =	sadd.s32 s2, s0  }
0x93: {  	s19 =	spop (v2sf);
	s0 =	sadd.s32 s18, s0  }
0x94: {  	s20 =	spop (v2sf);
	s0 =	sadd.s32 s19, s0  }
0x95: {  	s21 =	spop (v2sf);
	s0 =	sadd.s32 s20, s0  }
0x96: {  	s22 =	spop (v2sf);
	s0 =	sadd.s32 s21, s0  }
0x97: {  	s23 =	spop (v2sf);
	s0 =	sadd.s32 s22, s0  }
0x98: {  	s24 =	spop (v2sf);
	s0 =	sadd.s32 s23, s0  }
0x99: {  	s25 =	spop (v2sf);
	s0 =	sadd.s32 s24, s0  }
0x9a: {  	s26 =	spop (v2sf);
	s0 =	sadd.s32 s25, s0  }
0x9b: {  	s28 =	spop (v2sf);
	s0 =	sadd.s32 s26, s0  }
0x9c: {  	s29 =	spop (v2sf);
	s0 =	sadd.s32 s28, s0  }
0x9d: {  	s30 =	spop (v2sf);
	s0 =	sadd.s32 s29, s0  }
0x9e: {  	s31 =	spop (v2sf);
	s0 =	sadd.s32 s30, s0  }
0x9f: {  	s14 =	simm.s32 $0x0;
	s0 =	sadd.s32 s31, s0  }
0xa0: {  	s15 =	simm.s32 $0x800;
	s16 =	simm.s32 $0x1000;
	s0 =	ssub.s32 $0xCD, s0  }
.LBB2_18:
0xa1: {  	v22 =	vld [tilespmem:s15+$0x0];
	_ =	sdelay $0x4  }
0xa2: {  	vm0 =	veq.s32 v22, v21  }
0xa3: {  	v23 =	vsel vm0, $0x1, v0  }
0xa4: {  	(v2sf) =	vpush v23, $0x0;
	_ =	sdelay $0x4  }
0xa5: {  	(v2sf) =	vpush v23, $0x1;
	_ =	sdelay $0x4  }
0xa6: {  	(v2sf) =	vpush v23, $0x2;
	_ =	sdelay $0x4  }
0xa7: {  	s1 =	spop (v2sf);
	(v2sf) =	vpush v23, $0x3  }
0xa8: {  	p1 =	sgt.s32 s0, $0x0;
	p0 =	sne.s32 s1, $0x0  }
0xa9: {  	p0 =	por !p1, !p0  }
0xaa: {  	s17 =	simm.s32 $0x1;
	p0 =	por !p0, !p0  }
0xab: {  	s17 =	simm.s32 @!p0 $0x0  }
0xac: {  	s18 =	spop (v2sf);
	(v2sf) =	vpush v23, $0x4;
	s2 =	ssub.s32 s0, s17  }
0xad: {  	p1 =	sne.s32 s18, $0x0;
	p2 =	sgt.s32 s2, $0x0  }
0xae: {  	p0 =	por !p1, !p2  }
0xaf: {  	s18 =	simm.s32 $0x1;
	p0 =	por !p0, !p0  }
0xb0: {  	s18 =	simm.s32 @!p0 $0x0  }
0xb1: {  	s19 =	spop (v2sf);
	(v2sf) =	vpush v23, $0x5;
	s0 =	ssub.s32 s2, s18  }
0xb2: {  	p3 =	sne.s32 s19, $0x0;
	p4 =	sgt.s32 s0, $0x0  }
0xb3: {  	p0 =	por !p3, !p4  }
0xb4: {  	s19 =	simm.s32 $0x1;
	p0 =	por !p0, !p0  }
0xb5: {  	s19 =	simm.s32 @!p0 $0x0  }
0xb6: {  	s0 =	ssub.s32 s0, s19;
	s20 =	spop (v2sf);
	(v2sf) =	vpush v23, $0x6  }
0xb7: {  	p5 =	sne.s32 s20, $0x0;
	p6 =	sgt.s32 s0, $0x0  }
0xb8: {  	p0 =	por !p5, !p6  }
0xb9: {  	s20 =	simm.s32 $0x1;
	p0 =	por !p0, !p0  }
0xba: {  	s20 =	simm.s32 @!p0 $0x0  }
0xbb: {  	s21 =	spop (v2sf);
	(v2sf) =	vpush v23, $0x7;
	s0 =	ssub.s32 s0, s20  }
0xbc: {  	p1 =	sne.s32 s21, $0x0;
	p2 =	sgt.s32 s0, $0x0  }
0xbd: {  	p0 =	por !p1, !p2  }
0xbe: {  	s21 =	simm.s32 $0x1;
	p0 =	por !p0, !p0  }
0xbf: {  	s21 =	simm.s32 @!p0 $0x0  }
0xc0: {  	s22 =	spop (v2sf);
	(v2sf) =	vpush v23, $0x8;
	s0 =	ssub.s32 s0, s21  }
0xc1: {  	p3 =	sne.s32 s22, $0x0;
	p4 =	sgt.s32 s0, $0x0  }
0xc2: {  	p0 =	por !p3, !p4  }
0xc3: {  	s22 =	simm.s32 $0x1;
	p0 =	por !p0, !p0  }
0xc4: {  	s22 =	simm.s32 @!p0 $0x0  }
0xc5: {  	s0 =	ssub.s32 s0, s22;
	s23 =	spop (v2sf);
	(v2sf) =	vpush v23, $0x9  }
0xc6: {  	p5 =	sne.s32 s23, $0x0;
	p6 =	sgt.s32 s0, $0x0  }
0xc7: {  	p0 =	por !p5, !p6  }
0xc8: {  	s23 =	simm.s32 $0x1;
	p0 =	por !p0, !p0  }
0xc9: {  	s23 =	simm.s32 @!p0 $0x0  }
0xca: {  	s24 =	spop (v2sf);
	(v2sf) =	vpush v23, $0xA;
	s0 =	ssub.s32 s0, s23  }
0xcb: {  	p1 =	sne.s32 s24, $0x0;
	p2 =	sgt.s32 s0, $0x0  }
0xcc: {  	p0 =	por !p1, !p2  }
0xcd: {  	s24 =	simm.s32 $0x1;
	p0 =	por !p0, !p0  }
0xce: {  	s24 =	simm.s32 @!p0 $0x0  }
0xcf: {  	s25 =	spop (v2sf);
	(v2sf) =	vpush v23, $0xB;
	s0 =	ssub.s32 s0, s24  }
0xd0: {  	p3 =	sne.s32 s25, $0x0;
	p4 =	sgt.s32 s0, $0x0  }
0xd1: {  	p0 =	por !p3, !p4  }
0xd2: {  	s25 =	simm.s32 $0x1;
	p0 =	por !p0, !p0  }
0xd3: {  	s25 =	simm.s32 @!p0 $0x0  }
0xd4: {  	s0 =	ssub.s32 s0, s25;
	s26 =	spop (v2sf);
	(v2sf) =	vpush v23, $0xC  }
0xd5: {  	p5 =	sne.s32 s26, $0x0;
	p6 =	sgt.s32 s0, $0x0  }
0xd6: {  	p0 =	por !p5, !p6  }
0xd7: {  	s26 =	simm.s32 $0x1;
	p0 =	por !p0, !p0  }
0xd8: {  	s26 =	simm.s32 @!p0 $0x0  }
0xd9: {  	s28 =	spop (v2sf);
	(v2sf) =	vpush v23, $0xD;
	s0 =	ssub.s32 s0, s26  }
0xda: {  	p1 =	sne.s32 s28, $0x0;
	p2 =	sgt.s32 s0, $0x0  }
0xdb: {  	p0 =	por !p1, !p2  }
0xdc: {  	s28 =	simm.s32 $0x1;
	p0 =	por !p0, !p0  }
0xdd: {  	s28 =	simm.s32 @!p0 $0x0  }
0xde: {  	s29 =	spop (v2sf);
	s0 =	ssub.s32 s0, s28  }
0xdf: {  	p3 =	sne.s32 s29, $0x0;
	p4 =	sgt.s32 s0, $0x0  }
0xe0: {  	p0 =	por !p3, !p4  }
0xe1: {  	s29 =	simm.s32 $0x1;
	p0 =	por !p0, !p0  }
0xe2: {  	(v2sf) =	vpush v23, $0xE;
	s29 =	simm.s32 @!p0 $0x0  }
0xe3: {  	s0 =	ssub.s32 s0, s29;
	s30 =	spop (v2sf)  }
0xe4: {  	p5 =	sne.s32 s30, $0x0;
	p6 =	sgt.s32 s0, $0x0  }
0xe5: {  	p0 =	por !p5, !p6  }
0xe6: {  	s30 =	simm.s32 $0x1;
	p0 =	por !p0, !p0  }
0xe7: {  	(v2sf) =	vpush v23, $0xF;
	s30 =	simm.s32 @!p0 $0x0  }
0xe8: {  	s31 =	spop (v2sf);
	s2 =	ssub.s32 s0, s30  }
0xe9: {  	p1 =	sne.s32 s31, $0x0;
	p2 =	sgt.s32 s2, $0x0  }
0xea: {  	p0 =	por !p1, !p2;
	p2 =	slt.u32 s14, s4  }
0xeb: {  	p1 =	sge.u32 @!p2 s14, s5  }
0xec: {  	p1 =	por p2, p1  }
0xed: {  	v23 =	vand.u32 @!p1 s17, v1;
	v24 =	vand.u32 @!p1 s18, v2  }
0xee: {  	v23 =	vadd.s32 @!p1 v23, v24;
	v24 =	vand.u32 @!p1 s19, v3  }
0xef: {  	s0 =	simm.s32 $0x1;
	p0 =	por !p0, !p0;
	v23 =	vadd.s32 @!p1 v24, v23;
	v24 =	vand.u32 @!p1 s20, v4  }
0xf0: {  	s0 =	simm.s32 @!p0 $0x0;
	v23 =	vadd.s32 @!p1 v24, v23;
	v24 =	vand.u32 @!p1 s21, v5  }
0xf1: {  	s1 =	spop (v2sf);
	s31 =	ssub.s32 s2, s0;
	v23 =	vadd.s32 @!p1 v24, v23;
	v24 =	vand.u32 @!p1 s22, v6  }
0xf2: {  	p3 =	sne.s32 s1, $0x0;
	p4 =	sgt.s32 s31, $0x0;
	v23 =	vadd.s32 @!p1 v24, v23;
	v24 =	vand.u32 @!p1 s23, v7  }
0xf3: {  	p0 =	por !p3, !p4;
	v23 =	vadd.s32 @!p1 v24, v23;
	v24 =	vand.u32 @!p1 s24, v8  }
0xf4: {  	s2 =	simm.s32 $0x1;
	p0 =	por !p0, !p0;
	v23 =	vadd.s32 @!p1 v24, v23;
	v24 =	vand.u32 @!p1 s25, v9  }
0xf5: {  	s2 =	simm.s32 @!p0 $0x0;
	v23 =	vadd.s32 @!p1 v24, v23;
	v24 =	vand.u32 @!p1 s26, v10  }
0xf6: {  	s31 =	ssub.s32 s31, s2;
	s1 =	spop (v2sf);
	v23 =	vadd.s32 @!p1 v24, v23;
	v24 =	vand.u32 @!p1 s28, v11  }
0xf7: {  	p5 =	sne.s32 s1, $0x0;
	p6 =	sgt.s32 s31, $0x0;
	v23 =	vadd.s32 @!p1 v24, v23;
	v24 =	vand.u32 @!p1 s29, v12  }
0xf8: {  	p0 =	por !p5, !p6;
	v23 =	vadd.s32 @!p1 v24, v23;
	v24 =	vand.u32 @!p1 s30, v13  }
0xf9: {  	s1 =	simm.s32 $0x1;
	p0 =	por !p0, !p0;
	v23 =	vadd.s32 @!p1 v24, v23;
	v24 =	vand.u32 @!p1 s0, v14  }
0xfa: {  	s14 =	sadd.s32 $0x1, s14;
	s1 =	simm.s32 @!p0 $0x0;
	v23 =	vadd.s32 @!p1 v24, v23;
	v24 =	vand.u32 @!p1 s2, v15  }
0xfb: {  	p0 =	sne.s32 s14, $0x80;
	v23 =	vadd.s32 @!p1 v24, v23;
	v24 =	vand.u32 @!p1 s1, v17  }
.Ltmp8:
0xfc: {  	v23 =	vadd.s32 @!p1 v24, v23;
	(pc) =	sbr.rel @p0 .LBB2_18-.Ltmp8, $4  }
0xfd: {  	vm0 =	vgt.u32 @!p1 v22, v21;
	vm1 =	vgt.s32 @!p1 v23, $0x0  }
0xfe: {  	vm0 =	vmor @!p1 vm0, vm1  }
0xff: {  	v22 =	vsel @!p1 vm0, $0x3B9FD80A, v18  }
0x100: {  	s15 =	sadd.s32 $0x10, s15;
	s0 =	ssub.s32 s31, s1;
	[tilespmem:s16+$0x0] =	vst @!p1 v22;
	s16 =	sadd.s32 $0x10, s16  }
.Ltmp9:
0x101: {  	_ = 	snop;
	(pc) =	sbr.rel .LBB2_19-.Ltmp9, $1  }
0x102: {  	_ =	sdelay $0x3  }
.LBB2_5:
0x103: {  	p0 =	seq.s32 s17, $0x1F  }
.Ltmp10:
0x104: {  	_ = 	snop;
	(pc) =	sbr.rel @p0 .LBB2_7-.Ltmp10, $1  }
0x105: {  	_ =	sdelay $0x3  }
.LBB2_6:
0x106: {  	p0 =	seq.s32 s15, $0x1  }
.Ltmp11:
0x107: {  	_ = 	snop;
	(pc) =	sbr.rel @!p0 .LBB2_6-.Ltmp11, $2  }
0x108: {  	_ =	sdelay $0x2  }
0x109: {  	s15 =	sadd.s32 $0xFFFFFFFF, s15  }
.LBB2_7:
0x10a: {  	v21 =	vmov s14  }
.LBB2_8:
0x10b: {  	s0 =	simm.s32 $0x0;
	s1 =	simm.s32 $0x40  }
.LBB2_9:
0x10c: {  	p0 =	seq.s32 s1, $0x7C0;
	v22 =	vld.idx.msk [tilespmem:v19+s0+$0x0 ss:$0x1], $0xffff;
	_ =	sdelay $0x3  }
.Ltmp12:
0x10d: {  	(pc) =	sbr.rel @!p0 .LBB2_9-.Ltmp12, $4  }
0x10e: {  	_ = 	snop  }
0x10f: {  	vm0 =	vlt.u32 v22, v21  }
0x110: {  	v22 =	vsel vm0, $0x0, v16  }
0x111: {  	[tilespmem:v20+s0+$0x0 ss:$0x1] =	vst.idx.msk $0xffff, v22;
	s0 =	sshra.s32 s1, $0x2;
	s1 =	sadd.s32 $0x40, s1  }
0x112: {  	_ =	sdelay $0x3  }
0x113: {  	v22 =	vld.idx.msk [tilespmem:v19+s0+$0x0 ss:$0x1], $0xffff;
	_ =	sdelay $0x2  }
.Ltmp13:
0x114: {  	_ = 	snop;
	(pc) =	sbr.rel .LBB2_19-.Ltmp13, $4  }
0x115: {  	_ = 	snop  }
0x116: {  	vm0 =	vlt.u32 v22, v21  }
0x117: {  	v21 =	vsel vm0, $0x0, v16  }
0x118: {  	[tilespmem:v20+s0+$0x0 ss:$0x1] =	vst.idx.msk $0xffff, v21  }
.LBB2_20:
0x119: {  	_ =	sfence.sel $0x180000  }
0x11a: {  	[bflag:$0x0] =	sbarrier.arrive $0xFFFF  }
0x11b: {  	_ =	strace $0x90000047  }
0x11c: {  	s0 =	stileid.u32;
	[bflag:$0x2] =	sbarrier.arrive $0xFFFF  }
0x11d: {  	p0 =	sne.s32 s0, $0x0;
	s0 =	rddreg [dreg:$0x2]  }
0x11e: {  	s0 =	sadd.s32 @!p0 $0x100000, s0  }
0x11f: {  	[sflag:s0] =	ssyncadd.tile.s32 @!p0 $0x1;
	_ =	shalt  }
.Lfunc_end2:
_tile_overlayer_lowered:
.L_overlay_start_2:
0x120: {  	(tag) =	ssettag $0x2  }
0x121: {  	s0 =	rddreg [dreg:$0x0];
	s2 =	stileid.u32  }
0x122: {  	s1 =	rddreg [dreg:$0x1];
	p0 =	sne.s32 s2, $0x0  }
0x123: {  	s3 =	rddreg [dreg:$0x2];
	[bflag:$0x3] =	sbarrier.arrive $0xFFFF;
	s2 =	simm.s32 @!p0 $0x1C01  }
0x124: {  	[timem:s3], [sflag:s2] =	dma.local @!p0 [hbm:s0], s1  }
0x125: {  	s0 =	simm.s32 @!p0 $0x1  }
0x126: {  	_ =	swait.ge @!p0 [sflag:s0], s1  }
0x127: {  	s1 =	ssub.s32 @!p0 $0x0, s1;
	[sflag:s0] =	ssyncset.done @!p0 $0x0  }
0x128: {  	[sflag:s0] =	ssyncadd.s32 @!p0 s1  }
0x129: {  	[bflag:$0x3] =	sbarrier.arrive $0xFFFF  }
0x12a: {  	_ =	shalt  }

</sc_bundles>
